<compile_context>
chip_gen: v7x
topology: tpu7x:2x2x1
jax: 0.10.2.dev20260603
libtpu: 0.0.44.dev20260713+nightly
codegen_flags: <defaults>
</compile_context>

<pallas_src>
import functools

import jax
import jax.numpy as jnp
from jax import lax
from jax.experimental import pallas as pl
from jax.experimental.pallas import tpu as pltpu
from jax.experimental.pallas import tpu_sc as plsc

N_NEIGHBORS = 20
THRESHOLD = -0.5
BIG = 3.0e38


def _enc_body(x_ref, wenc_ref, wcls_ref, emb_ref, preds_ref):
    x = x_ref[...]
    emb = jnp.dot(x, wenc_ref[...], preferred_element_type=jnp.float32)
    emb_ref[...] = emb
    logits = jnp.dot(emb, wcls_ref[...], preferred_element_type=jnp.float32)
    am = jnp.argmax(logits, axis=1).astype(jnp.int32)
    preds_ref[...] = am[:, None]


def _knn_body(emb_ref, keys_ref, ld_ref, idx_ref, topv_ref, topi_ref,
              *, n_chunks, chunk, k_valid):
    i = pl.program_id(0)
    q = emb_ref.shape[0]

    @pl.when(i == 0)
    def _init():
        lane = lax.broadcasted_iota(jnp.int32, (q, 128), 1)
        topv_ref[...] = jnp.where(lane < N_NEIGHBORS,
                                  jnp.full((q, 128), BIG, jnp.float32),
                                  jnp.full((q, 128), -1.0, jnp.float32))
        topi_ref[...] = jnp.zeros((q, 128), jnp.int32)

    emb = emb_ref[...]
    keys = keys_ref[...]
    mm = lax.dot_general(emb, keys, (((1,), (1,)), ((), ())),
                         preferred_element_type=jnp.float32)
    q2 = jnp.sum(emb * emb, axis=1, keepdims=True)
    k2 = jnp.sum(keys * keys, axis=1)
    d2 = q2 - 2.0 * mm + k2[None, :]
    dist = jnp.sqrt(jnp.maximum(d2, 0.0) + 1e-12)
    col = lax.broadcasted_iota(jnp.int32, (q, chunk), 1)
    gcol = i * chunk + col
    dist = jnp.where(gcol < k_valid, dist, BIG)

    lane = lax.broadcasted_iota(jnp.int32, (q, 128), 1)

    topv0 = topv_ref[...]
    topi0 = topi_ref[...]
    worst0 = jnp.max(topv0, axis=1, keepdims=True)
    cnt = jnp.sum((dist < worst0).astype(jnp.int32), axis=1, keepdims=True)
    nmax = jnp.minimum(jnp.max(cnt), N_NEIGHBORS)

    def body(_, carry):
        dist, topv, topi = carry
        m = jnp.min(dist, axis=1, keepdims=True)
        am = jnp.argmin(dist, axis=1).astype(jnp.int32)
        gi = i * chunk + am
        worst = jnp.max(topv, axis=1, keepdims=True)
        aw = jnp.argmax(topv, axis=1).astype(jnp.int32)
        upd = (lane == aw[:, None]) & (m < worst)
        topv = jnp.where(upd, m, topv)
        topi = jnp.where(upd, gi[:, None], topi)
        dist = jnp.where(col == am[:, None], BIG, dist)
        return dist, topv, topi

    _, topv, topi = lax.fori_loop(0, nmax, body, (dist, topv0, topi0))
    topv_ref[...] = topv
    topi_ref[...] = topi

    @pl.when(i == n_chunks - 1)
    def _fin():
        tv = jnp.where(lane < N_NEIGHBORS, topv_ref[...], 0.0)
        meanknn = jnp.sum(tv, axis=1, keepdims=True) / N_NEIGHBORS
        ld_ref[...] = 1.0 / (meanknn + 1e-10)
        idx_ref[...] = topi_ref[...]


def _make_sc_inflo(kn, qn, n_tiles, qpt):
    mesh = plsc.VectorSubcoreMesh(core_axis_name="c", subcore_axis_name="s")
    groups = qpt // 16

    @functools.partial(
        pl.kernel,
        mesh=mesh,
        out_type=[
            jax.ShapeDtypeStruct((qn,), jnp.float32),
            jax.ShapeDtypeStruct((qn,), jnp.int32),
            jax.ShapeDtypeStruct((qn,), jnp.int32),
        ],
        scratch_types=[
            pltpu.VMEM((kn,), jnp.float32),
            pltpu.VMEM((N_NEIGHBORS, qpt), jnp.int32),
            pltpu.VMEM((qpt,), jnp.float32),
            pltpu.VMEM((qpt,), jnp.int32),
            pltpu.VMEM((qpt,), jnp.float32),
            pltpu.VMEM((qpt,), jnp.int32),
            pltpu.VMEM((qpt,), jnp.int32),
        ],
        compiler_params=pltpu.CompilerParams(needs_layout_passes=False),
    )
    def sc_body(kmkd_hbm, idx_hbm, ld_hbm, pr_hbm,
                inflo_hbm, fl_hbm, po_hbm,
                table_v, idx_v, ld_v, pr_v, inflo_v, fl_v, po_v):
        wid = lax.axis_index("s") * 2 + lax.axis_index("c")
        base = wid * qpt
        pltpu.sync_copy(kmkd_hbm, table_v)
        pltpu.sync_copy(idx_hbm.at[wid], idx_v)
        pltpu.sync_copy(ld_hbm.at[pl.ds(base, qpt)], ld_v)
        pltpu.sync_copy(pr_hbm.at[pl.ds(base, qpt)], pr_v)
        for g in range(groups):
            sl = pl.ds(g * 16, 16)
            acc = jnp.zeros((16,), jnp.float32)
            eps = jnp.full((16,), 1e-10, jnp.float32)
            for j in range(N_NEIGHBORS):
                iv = idx_v[j, sl]
                vals = plsc.load_gather(table_v, [iv])
                acc = acc + jnp.full((16,), 1.0, jnp.float32) / (vals + eps)
            avg = acc * jnp.full((16,), 1.0 / N_NEIGHBORS, jnp.float32)
            inflo = -(ld_v[sl] / (avg + eps))
            flag = inflo < jnp.full((16,), THRESHOLD, jnp.float32)
            inflo_v[sl] = inflo
            fl_v[sl] = jnp.where(flag, jnp.full((16,), 1, jnp.int32),
                                 jnp.full((16,), 0, jnp.int32))
            po_v[sl] = jnp.where(flag, jnp.full((16,), -1, jnp.int32),
                                 pr_v[sl])
        pltpu.sync_copy(inflo_v, inflo_hbm.at[pl.ds(base, qpt)])
        pltpu.sync_copy(fl_v, fl_hbm.at[pl.ds(base, qpt)])
        pltpu.sync_copy(po_v, po_hbm.at[pl.ds(base, qpt)])

    return sc_body


def kernel(x, keys, key_mean_knn_dist, W_enc, W_cls):
    qn, _ = x.shape
    kn, d = keys.shape
    chunk = 1024
    n_chunks = (kn + chunk - 1) // chunk
    kpad = n_chunks * chunk
    keys_p = jnp.pad(keys, ((0, kpad - kn), (0, 0)))

    emb, preds = pl.pallas_call(
        _enc_body,
        out_shape=(
            jax.ShapeDtypeStruct((qn, d), jnp.float32),
            jax.ShapeDtypeStruct((qn, 1), jnp.int32),
        ),
    )(x, W_enc, W_cls)

    ld, idx = pl.pallas_call(
        functools.partial(_knn_body, n_chunks=n_chunks, chunk=chunk,
                          k_valid=kn),
        grid=(n_chunks,),
        in_specs=[
            pl.BlockSpec((qn, d), lambda i: (0, 0)),
            pl.BlockSpec((chunk, d), lambda i: (i, 0)),
        ],
        out_specs=(
            pl.BlockSpec((qn, 1), lambda i: (0, 0)),
            pl.BlockSpec((qn, 128), lambda i: (0, 0)),
        ),
        out_shape=(
            jax.ShapeDtypeStruct((qn, 1), jnp.float32),
            jax.ShapeDtypeStruct((qn, 128), jnp.int32),
        ),
        scratch_shapes=[
            pltpu.VMEM((qn, 128), jnp.float32),
            pltpu.VMEM((qn, 128), jnp.int32),
        ],
        compiler_params=pltpu.CompilerParams(
            dimension_semantics=("arbitrary",)),
    )(emb, keys_p)

    n_tiles = 32
    qpt = qn // n_tiles
    idx20 = idx[:, :N_NEIGHBORS]
    idx_t = idx20.reshape(n_tiles, qpt, N_NEIGHBORS).transpose(0, 2, 1)
    sc = _make_sc_inflo(kn, qn, n_tiles, qpt)
    inflo_scores, fl, cls_preds = sc(key_mean_knn_dist, idx_t,
                                     ld[:, 0], preds[:, 0])
    return fl.astype(jnp.bool_), cls_preds, inflo_scores

# --- scband reference (transcript-rebuilt; emitter-appended) ---
"""Pipeline reference for scband-infloodclassifier-40149354283398 (READ-ONLY COPY).

The authoritative reference and input builder live on the scoring server;
editing this copy changes nothing except your own understanding.
"""

import jax, jax.numpy as jnp
import numpy as np

N_NEIGHBORS = 20
THRESHOLD = -0.5

def setup_inputs(seed: int = 0) -> dict:
    key = jax.random.key(seed)
    k1, k2, k3, k4, k5 = jax.random.split(key, 5)
    x = jax.random.normal(k1, (1024, 256), dtype=jnp.float32)
    keys = jax.random.normal(k2, (100000, 128), dtype=jnp.float32)
    key_mean_knn_dist = jax.random.uniform(k3, (100000,), dtype=jnp.float32)
    W_enc = jax.random.normal(k4, (256, 128), dtype=jnp.float32) * 0.05
    W_cls = jax.random.normal(k5, (128, 1000), dtype=jnp.float32) * 0.05
    return {"x": x, "keys": keys, "key_mean_knn_dist": key_mean_knn_dist, "W_enc": W_enc, "W_cls": W_cls}

def reference(x, keys, key_mean_knn_dist, W_enc, W_cls):
    # encoder(x, return_q=True) -> (logits, embeddings); encoder modeled as linear proj + linear head
    emb = x @ W_enc                      # [Q, d]
    logits = emb @ W_cls                 # [Q, n_classes]
    # kNN search against fitted train bank (euclidean, p=2)
    q2 = jnp.sum(emb * emb, axis=1, keepdims=True)        # [Q, 1]
    k2 = jnp.sum(keys * keys, axis=1)                      # [K]
    d2 = jnp.maximum(q2 - 2.0 * (emb @ keys.T) + k2[None, :], 0.0)
    dist = jnp.sqrt(d2 + 1e-12)                            # [Q, K]
    neg_d, idx = jax.lax.top_k(-dist, N_NEIGHBORS)         # nearest neighbors
    knn_d = -neg_d                                         # [Q, n_neighbors]
    # INFLO score: local density vs avg density of influence-space neighbors
    local_density = 1.0 / (jnp.mean(knn_d, axis=1) + 1e-10)
    nbr_mean_dist = jnp.take(key_mean_knn_dist, idx, axis=0)   # gather of fitted per-key kNN mean distances
    influence_density = 1.0 / (nbr_mean_dist + 1e-10)
    avg_influence_density = jnp.mean(influence_density, axis=1)
    inflo_scores = -(local_density / (avg_influence_density + 1e-10))
    ood_flags = inflo_scores < THRESHOLD
    cls_preds = jnp.argmax(logits, axis=1)
    cls_preds = jnp.where(ood_flags, -1, cls_preds)
    return ood_flags, cls_preds, inflo_scores

if __name__ == "__main__":
    import jax
    _d = setup_inputs()
    print(jax.jit(kernel)(*tuple(_d.values())))

</pallas_src>

<mosaic_0001>
#map = affine_map<(d0, d1) -> (0)>
#map1 = affine_map<(d0, d1) -> (0, 0, 0)>
module attributes {stable_mosaic.version = 14 : i64} {
  func.func @sc_body(%arg0: i32, %arg1: i32, %arg2: memref<100000xf32, #tpu.memory_space<hbm>>, %arg3: memref<32x20x32xi32, #tpu.memory_space<hbm>>, %arg4: memref<1024xf32, #tpu.memory_space<hbm>>, %arg5: memref<1024xi32, #tpu.memory_space<hbm>>, %arg6: memref<1024xf32, #tpu.memory_space<hbm>>, %arg7: memref<1024xi32, #tpu.memory_space<hbm>>, %arg8: memref<1024xi32, #tpu.memory_space<hbm>>, %arg9: memref<100000xf32, #tpu.memory_space<vmem>>, %arg10: memref<20x32xi32, #tpu.memory_space<vmem>>, %arg11: memref<32xf32, #tpu.memory_space<vmem>>, %arg12: memref<32xi32, #tpu.memory_space<vmem>>, %arg13: memref<32xf32, #tpu.memory_space<vmem>>, %arg14: memref<32xi32, #tpu.memory_space<vmem>>, %arg15: memref<32xi32, #tpu.memory_space<vmem>>) attributes {dimension_semantics = [#tpu.dimension_semantics<core_parallel>, #tpu.dimension_semantics<subcore_parallel>], iteration_bounds = array<i64: 2, 16>, scalar_prefetch = 0 : i64, scratch_operands = 7 : i64, tpu.core_type = #tpu.core_type<sc_vector_subcore>, window_params = [{transform_indices = #map}, {transform_indices = #map1}, {transform_indices = #map}, {transform_indices = #map}, {transform_indices = #map}, {transform_indices = #map}, {transform_indices = #map}]} {
    %mul3A = arith.constant 2 : i32
    %mul3A_0 = arith.muli %arg1, %mul3A : i32
    %add3A = arith.addi %mul3A_0, %arg0 : i32
    %mul3A_1 = arith.constant 32 : i32
    %mul3A_2 = arith.muli %add3A, %mul3A_1 : i32
    "tpu.region"() ({
      %run_scoped3A = tpu.sem_alloc : memref<!tpu.dma_semaphore, #tpu.memory_space<semaphore_mem>>
      tpu.enqueue_dma source(%arg2 : memref<100000xf32, #tpu.memory_space<hbm>>) target(%arg9 : memref<100000xf32, #tpu.memory_space<vmem>>) target_semaphore(%run_scoped3A : memref<!tpu.dma_semaphore, #tpu.memory_space<semaphore_mem>>)
      tpu.wait_dma2 semaphore(%run_scoped3A : memref<!tpu.dma_semaphore, #tpu.memory_space<semaphore_mem>>) src(%arg2 : memref<100000xf32, #tpu.memory_space<hbm>>) dst(%arg9 : memref<100000xf32, #tpu.memory_space<vmem>>)
      tpu.yield
    }) : () -> ()
    "tpu.region"() ({
      %run_scoped3A = tpu.sem_alloc : memref<!tpu.dma_semaphore, #tpu.memory_space<semaphore_mem>>
      %dma_start3A = arith.constant 0 : i32
      %dma_start3A_461 = arith.constant 0 : i32
      %dma_start3A_462 = tpu.memref_slice %arg3[%add3A, %dma_start3A, %dma_start3A_461] : memref<32x20x32xi32, #tpu.memory_space<hbm>> -> memref<1x20x32xi32, #tpu.memory_space<hbm>>
      %dma_start3A_463 = tpu.memref_squeeze %dma_start3A_462 : memref<1x20x32xi32, #tpu.memory_space<hbm>> -> memref<20x32xi32, #tpu.memory_space<hbm>>
      %dma_start3A_464 = arith.constant 0 : i32
      %dma_start3A_465 = arith.constant 0 : i32
      %dma_start3A_466 = tpu.memref_slice %arg3[%add3A, %dma_start3A_464, %dma_start3A_465] : memref<32x20x32xi32, #tpu.memory_space<hbm>> -> memref<1x20x32xi32, #tpu.memory_space<hbm>>
      %dma_start3A_467 = tpu.memref_squeeze %dma_start3A_466 : memref<1x20x32xi32, #tpu.memory_space<hbm>> -> memref<20x32xi32, #tpu.memory_space<hbm>>
      tpu.enqueue_dma source(%dma_start3A_467 : memref<20x32xi32, #tpu.memory_space<hbm>>) target(%arg10 : memref<20x32xi32, #tpu.memory_space<vmem>>) target_semaphore(%run_scoped3A : memref<!tpu.dma_semaphore, #tpu.memory_space<semaphore_mem>>)
      %dma_wait3A = arith.constant 0 : i32
      %dma_wait3A_468 = arith.constant 0 : i32
      %dma_wait3A_469 = tpu.memref_slice %arg3[%add3A, %dma_wait3A, %dma_wait3A_468] : memref<32x20x32xi32, #tpu.memory_space<hbm>> -> memref<1x20x32xi32, #tpu.memory_space<hbm>>
      %dma_wait3A_470 = tpu.memref_squeeze %dma_wait3A_469 : memref<1x20x32xi32, #tpu.memory_space<hbm>> -> memref<20x32xi32, #tpu.memory_space<hbm>>
      %dma_wait3A_471 = arith.constant 0 : i32
      %dma_wait3A_472 = arith.constant 0 : i32
      %dma_wait3A_473 = tpu.memref_slice %arg3[%add3A, %dma_wait3A_471, %dma_wait3A_472] : memref<32x20x32xi32, #tpu.memory_space<hbm>> -> memref<1x20x32xi32, #tpu.memory_space<hbm>>
      %dma_wait3A_474 = tpu.memref_squeeze %dma_wait3A_473 : memref<1x20x32xi32, #tpu.memory_space<hbm>> -> memref<20x32xi32, #tpu.memory_space<hbm>>
      tpu.wait_dma2 semaphore(%run_scoped3A : memref<!tpu.dma_semaphore, #tpu.memory_space<semaphore_mem>>) src(%dma_wait3A_474 : memref<20x32xi32, #tpu.memory_space<hbm>>) dst(%arg10 : memref<20x32xi32, #tpu.memory_space<vmem>>)
      tpu.yield
    }) : () -> ()
    "tpu.region"() ({
      %run_scoped3A = tpu.sem_alloc : memref<!tpu.dma_semaphore, #tpu.memory_space<semaphore_mem>>
      %dma_start3A = tpu.memref_slice %arg4[%mul3A_2] : memref<1024xf32, #tpu.memory_space<hbm>> -> memref<32xf32, #tpu.memory_space<hbm>>
      %dma_start3A_461 = tpu.memref_slice %arg4[%mul3A_2] : memref<1024xf32, #tpu.memory_space<hbm>> -> memref<32xf32, #tpu.memory_space<hbm>>
      tpu.enqueue_dma source(%dma_start3A_461 : memref<32xf32, #tpu.memory_space<hbm>>) target(%arg11 : memref<32xf32, #tpu.memory_space<vmem>>) target_semaphore(%run_scoped3A : memref<!tpu.dma_semaphore, #tpu.memory_space<semaphore_mem>>)
      %dma_wait3A = tpu.memref_slice %arg4[%mul3A_2] : memref<1024xf32, #tpu.memory_space<hbm>> -> memref<32xf32, #tpu.memory_space<hbm>>
      %dma_wait3A_462 = tpu.memref_slice %arg4[%mul3A_2] : memref<1024xf32, #tpu.memory_space<hbm>> -> memref<32xf32, #tpu.memory_space<hbm>>
      tpu.wait_dma2 semaphore(%run_scoped3A : memref<!tpu.dma_semaphore, #tpu.memory_space<semaphore_mem>>) src(%dma_wait3A_462 : memref<32xf32, #tpu.memory_space<hbm>>) dst(%arg11 : memref<32xf32, #tpu.memory_space<vmem>>)
      tpu.yield
    }) : () -> ()
    "tpu.region"() ({
      %run_scoped3A = tpu.sem_alloc : memref<!tpu.dma_semaphore, #tpu.memory_space<semaphore_mem>>
      %dma_start3A = tpu.memref_slice %arg5[%mul3A_2] : memref<1024xi32, #tpu.memory_space<hbm>> -> memref<32xi32, #tpu.memory_space<hbm>>
      %dma_start3A_461 = tpu.memref_slice %arg5[%mul3A_2] : memref<1024xi32, #tpu.memory_space<hbm>> -> memref<32xi32, #tpu.memory_space<hbm>>
      tpu.enqueue_dma source(%dma_start3A_461 : memref<32xi32, #tpu.memory_space<hbm>>) target(%arg12 : memref<32xi32, #tpu.memory_space<vmem>>) target_semaphore(%run_scoped3A : memref<!tpu.dma_semaphore, #tpu.memory_space<semaphore_mem>>)
      %dma_wait3A = tpu.memref_slice %arg5[%mul3A_2] : memref<1024xi32, #tpu.memory_space<hbm>> -> memref<32xi32, #tpu.memory_space<hbm>>
      %dma_wait3A_462 = tpu.memref_slice %arg5[%mul3A_2] : memref<1024xi32, #tpu.memory_space<hbm>> -> memref<32xi32, #tpu.memory_space<hbm>>
      tpu.wait_dma2 semaphore(%run_scoped3A : memref<!tpu.dma_semaphore, #tpu.memory_space<semaphore_mem>>) src(%dma_wait3A_462 : memref<32xi32, #tpu.memory_space<hbm>>) dst(%arg12 : memref<32xi32, #tpu.memory_space<vmem>>)
      tpu.yield
    }) : () -> ()
    %broadcast_in_dim3A = arith.constant 0.000000e+00 : f32
    %broadcast_in_dim3A_3 = vector.broadcast %broadcast_in_dim3A : f32 to vector<16xf32>
    %broadcast_in_dim3A_4 = arith.constant 1.000000e-10 : f32
    %broadcast_in_dim3A_5 = vector.broadcast %broadcast_in_dim3A_4 : f32 to vector<16xf32>
    %get3A = arith.constant 0 : i32
    %get3A_6 = arith.index_cast %get3A : i32 to index
    %get3A_7 = arith.constant 0 : index
    %get3A_8 = tpu.vector_load %arg10[%get3A_6, %get3A_7] {strides = array<i32>} : memref<20x32xi32, #tpu.memory_space<vmem>>, vector<16xi32>,
    %gather3A = tpu.vector_load_idx %arg9[%get3A_8] : memref<100000xf32, #tpu.memory_space<vmem>>[vector<16xi32>], vector<16xf32>,
    %broadcast_in_dim3A_9 = arith.constant 1.000000e+00 : f32
    %broadcast_in_dim3A_10 = vector.broadcast %broadcast_in_dim3A_9 : f32 to vector<16xf32>
    %add3A_11 = arith.addf %gather3A, %broadcast_in_dim3A_5 : vector<16xf32>
    %div3A = arith.divf %broadcast_in_dim3A_10, %add3A_11 : vector<16xf32>
    %add3A_12 = arith.addf %broadcast_in_dim3A_3, %div3A : vector<16xf32>
    %get3A_13 = arith.constant 1 : i32
    %get3A_14 = arith.index_cast %get3A_13 : i32 to index
    %get3A_15 = arith.constant 0 : index
    %get3A_16 = tpu.vector_load %arg10[%get3A_14, %get3A_15] {strides = array<i32>} : memref<20x32xi32, #tpu.memory_space<vmem>>, vector<16xi32>,
    %gather3A_17 = tpu.vector_load_idx %arg9[%get3A_16] : memref<100000xf32, #tpu.memory_space<vmem>>[vector<16xi32>], vector<16xf32>,
    %broadcast_in_dim3A_18 = arith.constant 1.000000e+00 : f32
    %broadcast_in_dim3A_19 = vector.broadcast %broadcast_in_dim3A_18 : f32 to vector<16xf32>
    %add3A_20 = arith.addf %gather3A_17, %broadcast_in_dim3A_5 : vector<16xf32>
    %div3A_21 = arith.divf %broadcast_in_dim3A_19, %add3A_20 : vector<16xf32>
    %add3A_22 = arith.addf %add3A_12, %div3A_21 : vector<16xf32>
    %get3A_23 = arith.constant 2 : i32
    %get3A_24 = arith.index_cast %get3A_23 : i32 to index
    %get3A_25 = arith.constant 0 : index
    %get3A_26 = tpu.vector_load %arg10[%get3A_24, %get3A_25] {strides = array<i32>} : memref<20x32xi32, #tpu.memory_space<vmem>>, vector<16xi32>,
    %gather3A_27 = tpu.vector_load_idx %arg9[%get3A_26] : memref<100000xf32, #tpu.memory_space<vmem>>[vector<16xi32>], vector<16xf32>,
    %broadcast_in_dim3A_28 = arith.constant 1.000000e+00 : f32
    %broadcast_in_dim3A_29 = vector.broadcast %broadcast_in_dim3A_28 : f32 to vector<16xf32>
    %add3A_30 = arith.addf %gather3A_27, %broadcast_in_dim3A_5 : vector<16xf32>
    %div3A_31 = arith.divf %broadcast_in_dim3A_29, %add3A_30 : vector<16xf32>
    %add3A_32 = arith.addf %add3A_22, %div3A_31 : vector<16xf32>
    %get3A_33 = arith.constant 3 : i32
    %get3A_34 = arith.index_cast %get3A_33 : i32 to index
    %get3A_35 = arith.constant 0 : index
    %get3A_36 = tpu.vector_load %arg10[%get3A_34, %get3A_35] {strides = array<i32>} : memref<20x32xi32, #tpu.memory_space<vmem>>, vector<16xi32>,
    %gather3A_37 = tpu.vector_load_idx %arg9[%get3A_36] : memref<100000xf32, #tpu.memory_space<vmem>>[vector<16xi32>], vector<16xf32>,
    %broadcast_in_dim3A_38 = arith.constant 1.000000e+00 : f32
    %broadcast_in_dim3A_39 = vector.broadcast %broadcast_in_dim3A_38 : f32 to vector<16xf32>
    %add3A_40 = arith.addf %gather3A_37, %broadcast_in_dim3A_5 : vector<16xf32>
    %div3A_41 = arith.divf %broadcast_in_dim3A_39, %add3A_40 : vector<16xf32>
    %add3A_42 = arith.addf %add3A_32, %div3A_41 : vector<16xf32>
    %get3A_43 = arith.constant 4 : i32
    %get3A_44 = arith.index_cast %get3A_43 : i32 to index
    %get3A_45 = arith.constant 0 : index
    %get3A_46 = tpu.vector_load %arg10[%get3A_44, %get3A_45] {strides = array<i32>} : memref<20x32xi32, #tpu.memory_space<vmem>>, vector<16xi32>,
    %gather3A_47 = tpu.vector_load_idx %arg9[%get3A_46] : memref<100000xf32, #tpu.memory_space<vmem>>[vector<16xi32>], vector<16xf32>,
    %broadcast_in_dim3A_48 = arith.constant 1.000000e+00 : f32
    %broadcast_in_dim3A_49 = vector.broadcast %broadcast_in_dim3A_48 : f32 to vector<16xf32>
    %add3A_50 = arith.addf %gather3A_47, %broadcast_in_dim3A_5 : vector<16xf32>
    %div3A_51 = arith.divf %broadcast_in_dim3A_49, %add3A_50 : vector<16xf32>
    %add3A_52 = arith.addf %add3A_42, %div3A_51 : vector<16xf32>
    %get3A_53 = arith.constant 5 : i32
    %get3A_54 = arith.index_cast %get3A_53 : i32 to index
    %get3A_55 = arith.constant 0 : index
    %get3A_56 = tpu.vector_load %arg10[%get3A_54, %get3A_55] {strides = array<i32>} : memref<20x32xi32, #tpu.memory_space<vmem>>, vector<16xi32>,
    %gather3A_57 = tpu.vector_load_idx %arg9[%get3A_56] : memref<100000xf32, #tpu.memory_space<vmem>>[vector<16xi32>], vector<16xf32>,
    %broadcast_in_dim3A_58 = arith.constant 1.000000e+00 : f32
    %broadcast_in_dim3A_59 = vector.broadcast %broadcast_in_dim3A_58 : f32 to vector<16xf32>
    %add3A_60 = arith.addf %gather3A_57, %broadcast_in_dim3A_5 : vector<16xf32>
    %div3A_61 = arith.divf %broadcast_in_dim3A_59, %add3A_60 : vector<16xf32>
    %add3A_62 = arith.addf %add3A_52, %div3A_61 : vector<16xf32>
    %get3A_63 = arith.constant 6 : i32
    %get3A_64 = arith.index_cast %get3A_63 : i32 to index
    %get3A_65 = arith.constant 0 : index
    %get3A_66 = tpu.vector_load %arg10[%get3A_64, %get3A_65] {strides = array<i32>} : memref<20x32xi32, #tpu.memory_space<vmem>>, vector<16xi32>,
    %gather3A_67 = tpu.vector_load_idx %arg9[%get3A_66] : memref<100000xf32, #tpu.memory_space<vmem>>[vector<16xi32>], vector<16xf32>,
    %broadcast_in_dim3A_68 = arith.constant 1.000000e+00 : f32
    %broadcast_in_dim3A_69 = vector.broadcast %broadcast_in_dim3A_68 : f32 to vector<16xf32>
    %add3A_70 = arith.addf %gather3A_67, %broadcast_in_dim3A_5 : vector<16xf32>
    %div3A_71 = arith.divf %broadcast_in_dim3A_69, %add3A_70 : vector<16xf32>
    %add3A_72 = arith.addf %add3A_62, %div3A_71 : vector<16xf32>
    %get3A_73 = arith.constant 7 : i32
    %get3A_74 = arith.index_cast %get3A_73 : i32 to index
    %get3A_75 = arith.constant 0 : index
    %get3A_76 = tpu.vector_load %arg10[%get3A_74, %get3A_75] {strides = array<i32>} : memref<20x32xi32, #tpu.memory_space<vmem>>, vector<16xi32>,
    %gather3A_77 = tpu.vector_load_idx %arg9[%get3A_76] : memref<100000xf32, #tpu.memory_space<vmem>>[vector<16xi32>], vector<16xf32>,
    %broadcast_in_dim3A_78 = arith.constant 1.000000e+00 : f32
    %broadcast_in_dim3A_79 = vector.broadcast %broadcast_in_dim3A_78 : f32 to vector<16xf32>
    %add3A_80 = arith.addf %gather3A_77, %broadcast_in_dim3A_5 : vector<16xf32>
    %div3A_81 = arith.divf %broadcast_in_dim3A_79, %add3A_80 : vector<16xf32>
    %add3A_82 = arith.addf %add3A_72, %div3A_81 : vector<16xf32>
    %get3A_83 = arith.constant 8 : i32
    %get3A_84 = arith.index_cast %get3A_83 : i32 to index
    %get3A_85 = arith.constant 0 : index
    %get3A_86 = tpu.vector_load %arg10[%get3A_84, %get3A_85] {strides = array<i32>} : memref<20x32xi32, #tpu.memory_space<vmem>>, vector<16xi32>,
    %gather3A_87 = tpu.vector_load_idx %arg9[%get3A_86] : memref<100000xf32, #tpu.memory_space<vmem>>[vector<16xi32>], vector<16xf32>,
    %broadcast_in_dim3A_88 = arith.constant 1.000000e+00 : f32
    %broadcast_in_dim3A_89 = vector.broadcast %broadcast_in_dim3A_88 : f32 to vector<16xf32>
    %add3A_90 = arith.addf %gather3A_87, %broadcast_in_dim3A_5 : vector<16xf32>
    %div3A_91 = arith.divf %broadcast_in_dim3A_89, %add3A_90 : vector<16xf32>
    %add3A_92 = arith.addf %add3A_82, %div3A_91 : vector<16xf32>
    %get3A_93 = arith.constant 9 : i32
    %get3A_94 = arith.index_cast %get3A_93 : i32 to index
    %get3A_95 = arith.constant 0 : index
    %get3A_96 = tpu.vector_load %arg10[%get3A_94, %get3A_95] {strides = array<i32>} : memref<20x32xi32, #tpu.memory_space<vmem>>, vector<16xi32>,
    %gather3A_97 = tpu.vector_load_idx %arg9[%get3A_96] : memref<100000xf32, #tpu.memory_space<vmem>>[vector<16xi32>], vector<16xf32>,
    %broadcast_in_dim3A_98 = arith.constant 1.000000e+00 : f32
    %broadcast_in_dim3A_99 = vector.broadcast %broadcast_in_dim3A_98 : f32 to vector<16xf32>
    %add3A_100 = arith.addf %gather3A_97, %broadcast_in_dim3A_5 : vector<16xf32>
    %div3A_101 = arith.divf %broadcast_in_dim3A_99, %add3A_100 : vector<16xf32>
    %add3A_102 = arith.addf %add3A_92, %div3A_101 : vector<16xf32>
    %get3A_103 = arith.constant 10 : i32
    %get3A_104 = arith.index_cast %get3A_103 : i32 to index
    %get3A_105 = arith.constant 0 : index
    %get3A_106 = tpu.vector_load %arg10[%get3A_104, %get3A_105] {strides = array<i32>} : memref<20x32xi32, #tpu.memory_space<vmem>>, vector<16xi32>,
    %gather3A_107 = tpu.vector_load_idx %arg9[%get3A_106] : memref<100000xf32, #tpu.memory_space<vmem>>[vector<16xi32>], vector<16xf32>,
    %broadcast_in_dim3A_108 = arith.constant 1.000000e+00 : f32
    %broadcast_in_dim3A_109 = vector.broadcast %broadcast_in_dim3A_108 : f32 to vector<16xf32>
    %add3A_110 = arith.addf %gather3A_107, %broadcast_in_dim3A_5 : vector<16xf32>
    %div3A_111 = arith.divf %broadcast_in_dim3A_109, %add3A_110 : vector<16xf32>
    %add3A_112 = arith.addf %add3A_102, %div3A_111 : vector<16xf32>
    %get3A_113 = arith.constant 11 : i32
    %get3A_114 = arith.index_cast %get3A_113 : i32 to index
    %get3A_115 = arith.constant 0 : index
    %get3A_116 = tpu.vector_load %arg10[%get3A_114, %get3A_115] {strides = array<i32>} : memref<20x32xi32, #tpu.memory_space<vmem>>, vector<16xi32>,
    %gather3A_117 = tpu.vector_load_idx %arg9[%get3A_116] : memref<100000xf32, #tpu.memory_space<vmem>>[vector<16xi32>], vector<16xf32>,
    %broadcast_in_dim3A_118 = arith.constant 1.000000e+00 : f32
    %broadcast_in_dim3A_119 = vector.broadcast %broadcast_in_dim3A_118 : f32 to vector<16xf32>
    %add3A_120 = arith.addf %gather3A_117, %broadcast_in_dim3A_5 : vector<16xf32>
    %div3A_121 = arith.divf %broadcast_in_dim3A_119, %add3A_120 : vector<16xf32>
    %add3A_122 = arith.addf %add3A_112, %div3A_121 : vector<16xf32>
    %get3A_123 = arith.constant 12 : i32
    %get3A_124 = arith.index_cast %get3A_123 : i32 to index
    %get3A_125 = arith.constant 0 : index
    %get3A_126 = tpu.vector_load %arg10[%get3A_124, %get3A_125] {strides = array<i32>} : memref<20x32xi32, #tpu.memory_space<vmem>>, vector<16xi32>,
    %gather3A_127 = tpu.vector_load_idx %arg9[%get3A_126] : memref<100000xf32, #tpu.memory_space<vmem>>[vector<16xi32>], vector<16xf32>,
    %broadcast_in_dim3A_128 = arith.constant 1.000000e+00 : f32
    %broadcast_in_dim3A_129 = vector.broadcast %broadcast_in_dim3A_128 : f32 to vector<16xf32>
    %add3A_130 = arith.addf %gather3A_127, %broadcast_in_dim3A_5 : vector<16xf32>
    %div3A_131 = arith.divf %broadcast_in_dim3A_129, %add3A_130 : vector<16xf32>
    %add3A_132 = arith.addf %add3A_122, %div3A_131 : vector<16xf32>
    %get3A_133 = arith.constant 13 : i32
    %get3A_134 = arith.index_cast %get3A_133 : i32 to index
    %get3A_135 = arith.constant 0 : index
    %get3A_136 = tpu.vector_load %arg10[%get3A_134, %get3A_135] {strides = array<i32>} : memref<20x32xi32, #tpu.memory_space<vmem>>, vector<16xi32>,
    %gather3A_137 = tpu.vector_load_idx %arg9[%get3A_136] : memref<100000xf32, #tpu.memory_space<vmem>>[vector<16xi32>], vector<16xf32>,
    %broadcast_in_dim3A_138 = arith.constant 1.000000e+00 : f32
    %broadcast_in_dim3A_139 = vector.broadcast %broadcast_in_dim3A_138 : f32 to vector<16xf32>
    %add3A_140 = arith.addf %gather3A_137, %broadcast_in_dim3A_5 : vector<16xf32>
    %div3A_141 = arith.divf %broadcast_in_dim3A_139, %add3A_140 : vector<16xf32>
    %add3A_142 = arith.addf %add3A_132, %div3A_141 : vector<16xf32>
    %get3A_143 = arith.constant 14 : i32
    %get3A_144 = arith.index_cast %get3A_143 : i32 to index
    %get3A_145 = arith.constant 0 : index
    %get3A_146 = tpu.vector_load %arg10[%get3A_144, %get3A_145] {strides = array<i32>} : memref<20x32xi32, #tpu.memory_space<vmem>>, vector<16xi32>,
    %gather3A_147 = tpu.vector_load_idx %arg9[%get3A_146] : memref<100000xf32, #tpu.memory_space<vmem>>[vector<16xi32>], vector<16xf32>,
    %broadcast_in_dim3A_148 = arith.constant 1.000000e+00 : f32
    %broadcast_in_dim3A_149 = vector.broadcast %broadcast_in_dim3A_148 : f32 to vector<16xf32>
    %add3A_150 = arith.addf %gather3A_147, %broadcast_in_dim3A_5 : vector<16xf32>
    %div3A_151 = arith.divf %broadcast_in_dim3A_149, %add3A_150 : vector<16xf32>
    %add3A_152 = arith.addf %add3A_142, %div3A_151 : vector<16xf32>
    %get3A_153 = arith.constant 15 : i32
    %get3A_154 = arith.index_cast %get3A_153 : i32 to index
    %get3A_155 = arith.constant 0 : index
    %get3A_156 = tpu.vector_load %arg10[%get3A_154, %get3A_155] {strides = array<i32>} : memref<20x32xi32, #tpu.memory_space<vmem>>, vector<16xi32>,
    %gather3A_157 = tpu.vector_load_idx %arg9[%get3A_156] : memref<100000xf32, #tpu.memory_space<vmem>>[vector<16xi32>], vector<16xf32>,
    %broadcast_in_dim3A_158 = arith.constant 1.000000e+00 : f32
    %broadcast_in_dim3A_159 = vector.broadcast %broadcast_in_dim3A_158 : f32 to vector<16xf32>
    %add3A_160 = arith.addf %gather3A_157, %broadcast_in_dim3A_5 : vector<16xf32>
    %div3A_161 = arith.divf %broadcast_in_dim3A_159, %add3A_160 : vector<16xf32>
    %add3A_162 = arith.addf %add3A_152, %div3A_161 : vector<16xf32>
    %get3A_163 = arith.constant 16 : i32
    %get3A_164 = arith.index_cast %get3A_163 : i32 to index
    %get3A_165 = arith.constant 0 : index
    %get3A_166 = tpu.vector_load %arg10[%get3A_164, %get3A_165] {strides = array<i32>} : memref<20x32xi32, #tpu.memory_space<vmem>>, vector<16xi32>,
    %gather3A_167 = tpu.vector_load_idx %arg9[%get3A_166] : memref<100000xf32, #tpu.memory_space<vmem>>[vector<16xi32>], vector<16xf32>,
    %broadcast_in_dim3A_168 = arith.constant 1.000000e+00 : f32
    %broadcast_in_dim3A_169 = vector.broadcast %broadcast_in_dim3A_168 : f32 to vector<16xf32>
    %add3A_170 = arith.addf %gather3A_167, %broadcast_in_dim3A_5 : vector<16xf32>
    %div3A_171 = arith.divf %broadcast_in_dim3A_169, %add3A_170 : vector<16xf32>
    %add3A_172 = arith.addf %add3A_162, %div3A_171 : vector<16xf32>
    %get3A_173 = arith.constant 17 : i32
    %get3A_174 = arith.index_cast %get3A_173 : i32 to index
    %get3A_175 = arith.constant 0 : index
    %get3A_176 = tpu.vector_load %arg10[%get3A_174, %get3A_175] {strides = array<i32>} : memref<20x32xi32, #tpu.memory_space<vmem>>, vector<16xi32>,
    %gather3A_177 = tpu.vector_load_idx %arg9[%get3A_176] : memref<100000xf32, #tpu.memory_space<vmem>>[vector<16xi32>], vector<16xf32>,
    %broadcast_in_dim3A_178 = arith.constant 1.000000e+00 : f32
    %broadcast_in_dim3A_179 = vector.broadcast %broadcast_in_dim3A_178 : f32 to vector<16xf32>
    %add3A_180 = arith.addf %gather3A_177, %broadcast_in_dim3A_5 : vector<16xf32>
    %div3A_181 = arith.divf %broadcast_in_dim3A_179, %add3A_180 : vector<16xf32>
    %add3A_182 = arith.addf %add3A_172, %div3A_181 : vector<16xf32>
    %get3A_183 = arith.constant 18 : i32
    %get3A_184 = arith.index_cast %get3A_183 : i32 to index
    %get3A_185 = arith.constant 0 : index
    %get3A_186 = tpu.vector_load %arg10[%get3A_184, %get3A_185] {strides = array<i32>} : memref<20x32xi32, #tpu.memory_space<vmem>>, vector<16xi32>,
    %gather3A_187 = tpu.vector_load_idx %arg9[%get3A_186] : memref<100000xf32, #tpu.memory_space<vmem>>[vector<16xi32>], vector<16xf32>,
    %broadcast_in_dim3A_188 = arith.constant 1.000000e+00 : f32
    %broadcast_in_dim3A_189 = vector.broadcast %broadcast_in_dim3A_188 : f32 to vector<16xf32>
    %add3A_190 = arith.addf %gather3A_187, %broadcast_in_dim3A_5 : vector<16xf32>
    %div3A_191 = arith.divf %broadcast_in_dim3A_189, %add3A_190 : vector<16xf32>
    %add3A_192 = arith.addf %add3A_182, %div3A_191 : vector<16xf32>
    %get3A_193 = arith.constant 19 : i32
    %get3A_194 = arith.index_cast %get3A_193 : i32 to index
    %get3A_195 = arith.constant 0 : index
    %get3A_196 = tpu.vector_load %arg10[%get3A_194, %get3A_195] {strides = array<i32>} : memref<20x32xi32, #tpu.memory_space<vmem>>, vector<16xi32>,
    %gather3A_197 = tpu.vector_load_idx %arg9[%get3A_196] : memref<100000xf32, #tpu.memory_space<vmem>>[vector<16xi32>], vector<16xf32>,
    %broadcast_in_dim3A_198 = arith.constant 1.000000e+00 : f32
    %broadcast_in_dim3A_199 = vector.broadcast %broadcast_in_dim3A_198 : f32 to vector<16xf32>
    %add3A_200 = arith.addf %gather3A_197, %broadcast_in_dim3A_5 : vector<16xf32>
    %div3A_201 = arith.divf %broadcast_in_dim3A_199, %add3A_200 : vector<16xf32>
    %add3A_202 = arith.addf %add3A_192, %div3A_201 : vector<16xf32>
    %broadcast_in_dim3A_203 = arith.constant 5.000000e-02 : f32
    %broadcast_in_dim3A_204 = vector.broadcast %broadcast_in_dim3A_203 : f32 to vector<16xf32>
    %mul3A_205 = arith.mulf %add3A_202, %broadcast_in_dim3A_204 : vector<16xf32>
    %get3A_206 = arith.constant 0 : index
    %get3A_207 = tpu.vector_load %arg11[%get3A_206] {strides = array<i32>} : memref<32xf32, #tpu.memory_space<vmem>>, vector<16xf32>,
    %add3A_208 = arith.addf %mul3A_205, %broadcast_in_dim3A_5 : vector<16xf32>
    %div3A_209 = arith.divf %get3A_207, %add3A_208 : vector<16xf32>
    %neg3A = arith.constant 0.000000e+00 : f32
    %neg3A_210 = vector.broadcast %neg3A : f32 to vector<16xf32>
    %neg3A_211 = arith.subf %neg3A_210, %div3A_209 : vector<16xf32>
    %broadcast_in_dim3A_212 = arith.constant -5.000000e-01 : f32
    %broadcast_in_dim3A_213 = vector.broadcast %broadcast_in_dim3A_212 : f32 to vector<16xf32>
    %lt3A = arith.cmpf olt, %neg3A_211, %broadcast_in_dim3A_213 : vector<16xf32>
    %swap3A = arith.constant 0 : index
    %swap3A_214 = tpu.vector_load %arg13[%swap3A] {strides = array<i32>} : memref<32xf32, #tpu.memory_space<vmem>>, vector<16xf32>,
    tpu.vector_store %arg13[%swap3A], %neg3A_211 {strides = array<i32>} : memref<32xf32, #tpu.memory_space<vmem>>, vector<16xf32>,
    %broadcast_in_dim3A_215 = arith.constant 1 : i32
    %broadcast_in_dim3A_216 = vector.broadcast %broadcast_in_dim3A_215 : i32 to vector<16xi32>
    %broadcast_in_dim3A_217 = arith.constant 0 : i32
    %broadcast_in_dim3A_218 = vector.broadcast %broadcast_in_dim3A_217 : i32 to vector<16xi32>
    %select_n3A = arith.select %lt3A, %broadcast_in_dim3A_216, %broadcast_in_dim3A_218 : vector<16xi1>, vector<16xi32>
    %swap3A_219 = arith.constant 0 : index
    %swap3A_220 = tpu.vector_load %arg14[%swap3A_219] {strides = array<i32>} : memref<32xi32, #tpu.memory_space<vmem>>, vector<16xi32>,
    tpu.vector_store %arg14[%swap3A_219], %select_n3A {strides = array<i32>} : memref<32xi32, #tpu.memory_space<vmem>>, vector<16xi32>,
    %broadcast_in_dim3A_221 = arith.constant -1 : i32
    %broadcast_in_dim3A_222 = vector.broadcast %broadcast_in_dim3A_221 : i32 to vector<16xi32>
    %get3A_223 = arith.constant 0 : index
    %get3A_224 = tpu.vector_load %arg12[%get3A_223] {strides = array<i32>} : memref<32xi32, #tpu.memory_space<vmem>>, vector<16xi32>,
    %select_n3A_225 = arith.select %lt3A, %broadcast_in_dim3A_222, %get3A_224 : vector<16xi1>, vector<16xi32>
    %swap3A_226 = arith.constant 0 : index
    %swap3A_227 = tpu.vector_load %arg15[%swap3A_226] {strides = array<i32>} : memref<32xi32, #tpu.memory_space<vmem>>, vector<16xi32>,
    tpu.vector_store %arg15[%swap3A_226], %select_n3A_225 {strides = array<i32>} : memref<32xi32, #tpu.memory_space<vmem>>, vector<16xi32>,
    %broadcast_in_dim3A_228 = arith.constant 0.000000e+00 : f32
    %broadcast_in_dim3A_229 = vector.broadcast %broadcast_in_dim3A_228 : f32 to vector<16xf32>
    %broadcast_in_dim3A_230 = arith.constant 1.000000e-10 : f32
    %broadcast_in_dim3A_231 = vector.broadcast %broadcast_in_dim3A_230 : f32 to vector<16xf32>
    %get3A_232 = arith.constant 0 : i32
    %get3A_233 = arith.index_cast %get3A_232 : i32 to index
    %get3A_234 = arith.constant 16 : index
    %get3A_235 = tpu.vector_load %arg10[%get3A_233, %get3A_234] {strides = array<i32>} : memref<20x32xi32, #tpu.memory_space<vmem>>, vector<16xi32>,
    %gather3A_236 = tpu.vector_load_idx %arg9[%get3A_235] : memref<100000xf32, #tpu.memory_space<vmem>>[vector<16xi32>], vector<16xf32>,
    %broadcast_in_dim3A_237 = arith.constant 1.000000e+00 : f32
    %broadcast_in_dim3A_238 = vector.broadcast %broadcast_in_dim3A_237 : f32 to vector<16xf32>
    %add3A_239 = arith.addf %gather3A_236, %broadcast_in_dim3A_231 : vector<16xf32>
    %div3A_240 = arith.divf %broadcast_in_dim3A_238, %add3A_239 : vector<16xf32>
    %add3A_241 = arith.addf %broadcast_in_dim3A_229, %div3A_240 : vector<16xf32>
    %get3A_242 = arith.constant 1 : i32
    %get3A_243 = arith.index_cast %get3A_242 : i32 to index
    %get3A_244 = arith.constant 16 : index
    %get3A_245 = tpu.vector_load %arg10[%get3A_243, %get3A_244] {strides = array<i32>} : memref<20x32xi32, #tpu.memory_space<vmem>>, vector<16xi32>,
    %gather3A_246 = tpu.vector_load_idx %arg9[%get3A_245] : memref<100000xf32, #tpu.memory_space<vmem>>[vector<16xi32>], vector<16xf32>,
    %broadcast_in_dim3A_247 = arith.constant 1.000000e+00 : f32
    %broadcast_in_dim3A_248 = vector.broadcast %broadcast_in_dim3A_247 : f32 to vector<16xf32>
    %add3A_249 = arith.addf %gather3A_246, %broadcast_in_dim3A_231 : vector<16xf32>
    %div3A_250 = arith.divf %broadcast_in_dim3A_248, %add3A_249 : vector<16xf32>
    %add3A_251 = arith.addf %add3A_241, %div3A_250 : vector<16xf32>
    %get3A_252 = arith.constant 2 : i32
    %get3A_253 = arith.index_cast %get3A_252 : i32 to index
    %get3A_254 = arith.constant 16 : index
    %get3A_255 = tpu.vector_load %arg10[%get3A_253, %get3A_254] {strides = array<i32>} : memref<20x32xi32, #tpu.memory_space<vmem>>, vector<16xi32>,
    %gather3A_256 = tpu.vector_load_idx %arg9[%get3A_255] : memref<100000xf32, #tpu.memory_space<vmem>>[vector<16xi32>], vector<16xf32>,
    %broadcast_in_dim3A_257 = arith.constant 1.000000e+00 : f32
    %broadcast_in_dim3A_258 = vector.broadcast %broadcast_in_dim3A_257 : f32 to vector<16xf32>
    %add3A_259 = arith.addf %gather3A_256, %broadcast_in_dim3A_231 : vector<16xf32>
    %div3A_260 = arith.divf %broadcast_in_dim3A_258, %add3A_259 : vector<16xf32>
    %add3A_261 = arith.addf %add3A_251, %div3A_260 : vector<16xf32>
    %get3A_262 = arith.constant 3 : i32
    %get3A_263 = arith.index_cast %get3A_262 : i32 to index
    %get3A_264 = arith.constant 16 : index
    %get3A_265 = tpu.vector_load %arg10[%get3A_263, %get3A_264] {strides = array<i32>} : memref<20x32xi32, #tpu.memory_space<vmem>>, vector<16xi32>,
    %gather3A_266 = tpu.vector_load_idx %arg9[%get3A_265] : memref<100000xf32, #tpu.memory_space<vmem>>[vector<16xi32>], vector<16xf32>,
    %broadcast_in_dim3A_267 = arith.constant 1.000000e+00 : f32
    %broadcast_in_dim3A_268 = vector.broadcast %broadcast_in_dim3A_267 : f32 to vector<16xf32>
    %add3A_269 = arith.addf %gather3A_266, %broadcast_in_dim3A_231 : vector<16xf32>
    %div3A_270 = arith.divf %broadcast_in_dim3A_268, %add3A_269 : vector<16xf32>
    %add3A_271 = arith.addf %add3A_261, %div3A_270 : vector<16xf32>
    %get3A_272 = arith.constant 4 : i32
    %get3A_273 = arith.index_cast %get3A_272 : i32 to index
    %get3A_274 = arith.constant 16 : index
    %get3A_275 = tpu.vector_load %arg10[%get3A_273, %get3A_274] {strides = array<i32>} : memref<20x32xi32, #tpu.memory_space<vmem>>, vector<16xi32>,
    %gather3A_276 = tpu.vector_load_idx %arg9[%get3A_275] : memref<100000xf32, #tpu.memory_space<vmem>>[vector<16xi32>], vector<16xf32>,
    %broadcast_in_dim3A_277 = arith.constant 1.000000e+00 : f32
    %broadcast_in_dim3A_278 = vector.broadcast %broadcast_in_dim3A_277 : f32 to vector<16xf32>
    %add3A_279 = arith.addf %gather3A_276, %broadcast_in_dim3A_231 : vector<16xf32>
    %div3A_280 = arith.divf %broadcast_in_dim3A_278, %add3A_279 : vector<16xf32>
    %add3A_281 = arith.addf %add3A_271, %div3A_280 : vector<16xf32>
    %get3A_282 = arith.constant 5 : i32
    %get3A_283 = arith.index_cast %get3A_282 : i32 to index
    %get3A_284 = arith.constant 16 : index
    %get3A_285 = tpu.vector_load %arg10[%get3A_283, %get3A_284] {strides = array<i32>} : memref<20x32xi32, #tpu.memory_space<vmem>>, vector<16xi32>,
    %gather3A_286 = tpu.vector_load_idx %arg9[%get3A_285] : memref<100000xf32, #tpu.memory_space<vmem>>[vector<16xi32>], vector<16xf32>,
    %broadcast_in_dim3A_287 = arith.constant 1.000000e+00 : f32
    %broadcast_in_dim3A_288 = vector.broadcast %broadcast_in_dim3A_287 : f32 to vector<16xf32>
    %add3A_289 = arith.addf %gather3A_286, %broadcast_in_dim3A_231 : vector<16xf32>
    %div3A_290 = arith.divf %broadcast_in_dim3A_288, %add3A_289 : vector<16xf32>
    %add3A_291 = arith.addf %add3A_281, %div3A_290 : vector<16xf32>
    %get3A_292 = arith.constant 6 : i32
    %get3A_293 = arith.index_cast %get3A_292 : i32 to index
    %get3A_294 = arith.constant 16 : index
    %get3A_295 = tpu.vector_load %arg10[%get3A_293, %get3A_294] {strides = array<i32>} : memref<20x32xi32, #tpu.memory_space<vmem>>, vector<16xi32>,
    %gather3A_296 = tpu.vector_load_idx %arg9[%get3A_295] : memref<100000xf32, #tpu.memory_space<vmem>>[vector<16xi32>], vector<16xf32>,
    %broadcast_in_dim3A_297 = arith.constant 1.000000e+00 : f32
    %broadcast_in_dim3A_298 = vector.broadcast %broadcast_in_dim3A_297 : f32 to vector<16xf32>
    %add3A_299 = arith.addf %gather3A_296, %broadcast_in_dim3A_231 : vector<16xf32>
    %div3A_300 = arith.divf %broadcast_in_dim3A_298, %add3A_299 : vector<16xf32>
    %add3A_301 = arith.addf %add3A_291, %div3A_300 : vector<16xf32>
    %get3A_302 = arith.constant 7 : i32
    %get3A_303 = arith.index_cast %get3A_302 : i32 to index
    %get3A_304 = arith.constant 16 : index
    %get3A_305 = tpu.vector_load %arg10[%get3A_303, %get3A_304] {strides = array<i32>} : memref<20x32xi32, #tpu.memory_space<vmem>>, vector<16xi32>,
    %gather3A_306 = tpu.vector_load_idx %arg9[%get3A_305] : memref<100000xf32, #tpu.memory_space<vmem>>[vector<16xi32>], vector<16xf32>,
    %broadcast_in_dim3A_307 = arith.constant 1.000000e+00 : f32
    %broadcast_in_dim3A_308 = vector.broadcast %broadcast_in_dim3A_307 : f32 to vector<16xf32>
    %add3A_309 = arith.addf %gather3A_306, %broadcast_in_dim3A_231 : vector<16xf32>
    %div3A_310 = arith.divf %broadcast_in_dim3A_308, %add3A_309 : vector<16xf32>
    %add3A_311 = arith.addf %add3A_301, %div3A_310 : vector<16xf32>
    %get3A_312 = arith.constant 8 : i32
    %get3A_313 = arith.index_cast %get3A_312 : i32 to index
    %get3A_314 = arith.constant 16 : index
    %get3A_315 = tpu.vector_load %arg10[%get3A_313, %get3A_314] {strides = array<i32>} : memref<20x32xi32, #tpu.memory_space<vmem>>, vector<16xi32>,
    %gather3A_316 = tpu.vector_load_idx %arg9[%get3A_315] : memref<100000xf32, #tpu.memory_space<vmem>>[vector<16xi32>], vector<16xf32>,
    %broadcast_in_dim3A_317 = arith.constant 1.000000e+00 : f32
    %broadcast_in_dim3A_318 = vector.broadcast %broadcast_in_dim3A_317 : f32 to vector<16xf32>
    %add3A_319 = arith.addf %gather3A_316, %broadcast_in_dim3A_231 : vector<16xf32>
    %div3A_320 = arith.divf %broadcast_in_dim3A_318, %add3A_319 : vector<16xf32>
    %add3A_321 = arith.addf %add3A_311, %div3A_320 : vector<16xf32>
    %get3A_322 = arith.constant 9 : i32
    %get3A_323 = arith.index_cast %get3A_322 : i32 to index
    %get3A_324 = arith.constant 16 : index
    %get3A_325 = tpu.vector_load %arg10[%get3A_323, %get3A_324] {strides = array<i32>} : memref<20x32xi32, #tpu.memory_space<vmem>>, vector<16xi32>,
    %gather3A_326 = tpu.vector_load_idx %arg9[%get3A_325] : memref<100000xf32, #tpu.memory_space<vmem>>[vector<16xi32>], vector<16xf32>,
    %broadcast_in_dim3A_327 = arith.constant 1.000000e+00 : f32
    %broadcast_in_dim3A_328 = vector.broadcast %broadcast_in_dim3A_327 : f32 to vector<16xf32>
    %add3A_329 = arith.addf %gather3A_326, %broadcast_in_dim3A_231 : vector<16xf32>
    %div3A_330 = arith.divf %broadcast_in_dim3A_328, %add3A_329 : vector<16xf32>
    %add3A_331 = arith.addf %add3A_321, %div3A_330 : vector<16xf32>
    %get3A_332 = arith.constant 10 : i32
    %get3A_333 = arith.index_cast %get3A_332 : i32 to index
    %get3A_334 = arith.constant 16 : index
    %get3A_335 = tpu.vector_load %arg10[%get3A_333, %get3A_334] {strides = array<i32>} : memref<20x32xi32, #tpu.memory_space<vmem>>, vector<16xi32>,
    %gather3A_336 = tpu.vector_load_idx %arg9[%get3A_335] : memref<100000xf32, #tpu.memory_space<vmem>>[vector<16xi32>], vector<16xf32>,
    %broadcast_in_dim3A_337 = arith.constant 1.000000e+00 : f32
    %broadcast_in_dim3A_338 = vector.broadcast %broadcast_in_dim3A_337 : f32 to vector<16xf32>
    %add3A_339 = arith.addf %gather3A_336, %broadcast_in_dim3A_231 : vector<16xf32>
    %div3A_340 = arith.divf %broadcast_in_dim3A_338, %add3A_339 : vector<16xf32>
    %add3A_341 = arith.addf %add3A_331, %div3A_340 : vector<16xf32>
    %get3A_342 = arith.constant 11 : i32
    %get3A_343 = arith.index_cast %get3A_342 : i32 to index
    %get3A_344 = arith.constant 16 : index
    %get3A_345 = tpu.vector_load %arg10[%get3A_343, %get3A_344] {strides = array<i32>} : memref<20x32xi32, #tpu.memory_space<vmem>>, vector<16xi32>,
    %gather3A_346 = tpu.vector_load_idx %arg9[%get3A_345] : memref<100000xf32, #tpu.memory_space<vmem>>[vector<16xi32>], vector<16xf32>,
    %broadcast_in_dim3A_347 = arith.constant 1.000000e+00 : f32
    %broadcast_in_dim3A_348 = vector.broadcast %broadcast_in_dim3A_347 : f32 to vector<16xf32>
    %add3A_349 = arith.addf %gather3A_346, %broadcast_in_dim3A_231 : vector<16xf32>
    %div3A_350 = arith.divf %broadcast_in_dim3A_348, %add3A_349 : vector<16xf32>
    %add3A_351 = arith.addf %add3A_341, %div3A_350 : vector<16xf32>
    %get3A_352 = arith.constant 12 : i32
    %get3A_353 = arith.index_cast %get3A_352 : i32 to index
    %get3A_354 = arith.constant 16 : index
    %get3A_355 = tpu.vector_load %arg10[%get3A_353, %get3A_354] {strides = array<i32>} : memref<20x32xi32, #tpu.memory_space<vmem>>, vector<16xi32>,
    %gather3A_356 = tpu.vector_load_idx %arg9[%get3A_355] : memref<100000xf32, #tpu.memory_space<vmem>>[vector<16xi32>], vector<16xf32>,
    %broadcast_in_dim3A_357 = arith.constant 1.000000e+00 : f32
    %broadcast_in_dim3A_358 = vector.broadcast %broadcast_in_dim3A_357 : f32 to vector<16xf32>
    %add3A_359 = arith.addf %gather3A_356, %broadcast_in_dim3A_231 : vector<16xf32>
    %div3A_360 = arith.divf %broadcast_in_dim3A_358, %add3A_359 : vector<16xf32>
    %add3A_361 = arith.addf %add3A_351, %div3A_360 : vector<16xf32>
    %get3A_362 = arith.constant 13 : i32
    %get3A_363 = arith.index_cast %get3A_362 : i32 to index
    %get3A_364 = arith.constant 16 : index
    %get3A_365 = tpu.vector_load %arg10[%get3A_363, %get3A_364] {strides = array<i32>} : memref<20x32xi32, #tpu.memory_space<vmem>>, vector<16xi32>,
    %gather3A_366 = tpu.vector_load_idx %arg9[%get3A_365] : memref<100000xf32, #tpu.memory_space<vmem>>[vector<16xi32>], vector<16xf32>,
    %broadcast_in_dim3A_367 = arith.constant 1.000000e+00 : f32
    %broadcast_in_dim3A_368 = vector.broadcast %broadcast_in_dim3A_367 : f32 to vector<16xf32>
    %add3A_369 = arith.addf %gather3A_366, %broadcast_in_dim3A_231 : vector<16xf32>
    %div3A_370 = arith.divf %broadcast_in_dim3A_368, %add3A_369 : vector<16xf32>
    %add3A_371 = arith.addf %add3A_361, %div3A_370 : vector<16xf32>
    %get3A_372 = arith.constant 14 : i32
    %get3A_373 = arith.index_cast %get3A_372 : i32 to index
    %get3A_374 = arith.constant 16 : index
    %get3A_375 = tpu.vector_load %arg10[%get3A_373, %get3A_374] {strides = array<i32>} : memref<20x32xi32, #tpu.memory_space<vmem>>, vector<16xi32>,
    %gather3A_376 = tpu.vector_load_idx %arg9[%get3A_375] : memref<100000xf32, #tpu.memory_space<vmem>>[vector<16xi32>], vector<16xf32>,
    %broadcast_in_dim3A_377 = arith.constant 1.000000e+00 : f32
    %broadcast_in_dim3A_378 = vector.broadcast %broadcast_in_dim3A_377 : f32 to vector<16xf32>
    %add3A_379 = arith.addf %gather3A_376, %broadcast_in_dim3A_231 : vector<16xf32>
    %div3A_380 = arith.divf %broadcast_in_dim3A_378, %add3A_379 : vector<16xf32>
    %add3A_381 = arith.addf %add3A_371, %div3A_380 : vector<16xf32>
    %get3A_382 = arith.constant 15 : i32
    %get3A_383 = arith.index_cast %get3A_382 : i32 to index
    %get3A_384 = arith.constant 16 : index
    %get3A_385 = tpu.vector_load %arg10[%get3A_383, %get3A_384] {strides = array<i32>} : memref<20x32xi32, #tpu.memory_space<vmem>>, vector<16xi32>,
    %gather3A_386 = tpu.vector_load_idx %arg9[%get3A_385] : memref<100000xf32, #tpu.memory_space<vmem>>[vector<16xi32>], vector<16xf32>,
    %broadcast_in_dim3A_387 = arith.constant 1.000000e+00 : f32
    %broadcast_in_dim3A_388 = vector.broadcast %broadcast_in_dim3A_387 : f32 to vector<16xf32>
    %add3A_389 = arith.addf %gather3A_386, %broadcast_in_dim3A_231 : vector<16xf32>
    %div3A_390 = arith.divf %broadcast_in_dim3A_388, %add3A_389 : vector<16xf32>
    %add3A_391 = arith.addf %add3A_381, %div3A_390 : vector<16xf32>
    %get3A_392 = arith.constant 16 : i32
    %get3A_393 = arith.index_cast %get3A_392 : i32 to index
    %get3A_394 = arith.constant 16 : index
    %get3A_395 = tpu.vector_load %arg10[%get3A_393, %get3A_394] {strides = array<i32>} : memref<20x32xi32, #tpu.memory_space<vmem>>, vector<16xi32>,
    %gather3A_396 = tpu.vector_load_idx %arg9[%get3A_395] : memref<100000xf32, #tpu.memory_space<vmem>>[vector<16xi32>], vector<16xf32>,
    %broadcast_in_dim3A_397 = arith.constant 1.000000e+00 : f32
    %broadcast_in_dim3A_398 = vector.broadcast %broadcast_in_dim3A_397 : f32 to vector<16xf32>
    %add3A_399 = arith.addf %gather3A_396, %broadcast_in_dim3A_231 : vector<16xf32>
    %div3A_400 = arith.divf %broadcast_in_dim3A_398, %add3A_399 : vector<16xf32>
    %add3A_401 = arith.addf %add3A_391, %div3A_400 : vector<16xf32>
    %get3A_402 = arith.constant 17 : i32
    %get3A_403 = arith.index_cast %get3A_402 : i32 to index
    %get3A_404 = arith.constant 16 : index
    %get3A_405 = tpu.vector_load %arg10[%get3A_403, %get3A_404] {strides = array<i32>} : memref<20x32xi32, #tpu.memory_space<vmem>>, vector<16xi32>,
    %gather3A_406 = tpu.vector_load_idx %arg9[%get3A_405] : memref<100000xf32, #tpu.memory_space<vmem>>[vector<16xi32>], vector<16xf32>,
    %broadcast_in_dim3A_407 = arith.constant 1.000000e+00 : f32
    %broadcast_in_dim3A_408 = vector.broadcast %broadcast_in_dim3A_407 : f32 to vector<16xf32>
    %add3A_409 = arith.addf %gather3A_406, %broadcast_in_dim3A_231 : vector<16xf32>
    %div3A_410 = arith.divf %broadcast_in_dim3A_408, %add3A_409 : vector<16xf32>
    %add3A_411 = arith.addf %add3A_401, %div3A_410 : vector<16xf32>
    %get3A_412 = arith.constant 18 : i32
    %get3A_413 = arith.index_cast %get3A_412 : i32 to index
    %get3A_414 = arith.constant 16 : index
    %get3A_415 = tpu.vector_load %arg10[%get3A_413, %get3A_414] {strides = array<i32>} : memref<20x32xi32, #tpu.memory_space<vmem>>, vector<16xi32>,
    %gather3A_416 = tpu.vector_load_idx %arg9[%get3A_415] : memref<100000xf32, #tpu.memory_space<vmem>>[vector<16xi32>], vector<16xf32>,
    %broadcast_in_dim3A_417 = arith.constant 1.000000e+00 : f32
    %broadcast_in_dim3A_418 = vector.broadcast %broadcast_in_dim3A_417 : f32 to vector<16xf32>
    %add3A_419 = arith.addf %gather3A_416, %broadcast_in_dim3A_231 : vector<16xf32>
    %div3A_420 = arith.divf %broadcast_in_dim3A_418, %add3A_419 : vector<16xf32>
    %add3A_421 = arith.addf %add3A_411, %div3A_420 : vector<16xf32>
    %get3A_422 = arith.constant 19 : i32
    %get3A_423 = arith.index_cast %get3A_422 : i32 to index
    %get3A_424 = arith.constant 16 : index
    %get3A_425 = tpu.vector_load %arg10[%get3A_423, %get3A_424] {strides = array<i32>} : memref<20x32xi32, #tpu.memory_space<vmem>>, vector<16xi32>,
    %gather3A_426 = tpu.vector_load_idx %arg9[%get3A_425] : memref<100000xf32, #tpu.memory_space<vmem>>[vector<16xi32>], vector<16xf32>,
    %broadcast_in_dim3A_427 = arith.constant 1.000000e+00 : f32
    %broadcast_in_dim3A_428 = vector.broadcast %broadcast_in_dim3A_427 : f32 to vector<16xf32>
    %add3A_429 = arith.addf %gather3A_426, %broadcast_in_dim3A_231 : vector<16xf32>
    %div3A_430 = arith.divf %broadcast_in_dim3A_428, %add3A_429 : vector<16xf32>
    %add3A_431 = arith.addf %add3A_421, %div3A_430 : vector<16xf32>
    %broadcast_in_dim3A_432 = arith.constant 5.000000e-02 : f32
    %broadcast_in_dim3A_433 = vector.broadcast %broadcast_in_dim3A_432 : f32 to vector<16xf32>
    %mul3A_434 = arith.mulf %add3A_431, %broadcast_in_dim3A_433 : vector<16xf32>
    %get3A_435 = arith.constant 16 : index
    %get3A_436 = tpu.vector_load %arg11[%get3A_435] {strides = array<i32>} : memref<32xf32, #tpu.memory_space<vmem>>, vector<16xf32>,
    %add3A_437 = arith.addf %mul3A_434, %broadcast_in_dim3A_231 : vector<16xf32>
    %div3A_438 = arith.divf %get3A_436, %add3A_437 : vector<16xf32>
    %neg3A_439 = arith.constant 0.000000e+00 : f32
    %neg3A_440 = vector.broadcast %neg3A_439 : f32 to vector<16xf32>
    %neg3A_441 = arith.subf %neg3A_440, %div3A_438 : vector<16xf32>
    %broadcast_in_dim3A_442 = arith.constant -5.000000e-01 : f32
    %broadcast_in_dim3A_443 = vector.broadcast %broadcast_in_dim3A_442 : f32 to vector<16xf32>
    %lt3A_444 = arith.cmpf olt, %neg3A_441, %broadcast_in_dim3A_443 : vector<16xf32>
    %swap3A_445 = arith.constant 16 : index
    %swap3A_446 = tpu.vector_load %arg13[%swap3A_445] {strides = array<i32>} : memref<32xf32, #tpu.memory_space<vmem>>, vector<16xf32>,
    tpu.vector_store %arg13[%swap3A_445], %neg3A_441 {strides = array<i32>} : memref<32xf32, #tpu.memory_space<vmem>>, vector<16xf32>,
    %broadcast_in_dim3A_447 = arith.constant 1 : i32
    %broadcast_in_dim3A_448 = vector.broadcast %broadcast_in_dim3A_447 : i32 to vector<16xi32>
    %broadcast_in_dim3A_449 = arith.constant 0 : i32
    %broadcast_in_dim3A_450 = vector.broadcast %broadcast_in_dim3A_449 : i32 to vector<16xi32>
    %select_n3A_451 = arith.select %lt3A_444, %broadcast_in_dim3A_448, %broadcast_in_dim3A_450 : vector<16xi1>, vector<16xi32>
    %swap3A_452 = arith.constant 16 : index
    %swap3A_453 = tpu.vector_load %arg14[%swap3A_452] {strides = array<i32>} : memref<32xi32, #tpu.memory_space<vmem>>, vector<16xi32>,
    tpu.vector_store %arg14[%swap3A_452], %select_n3A_451 {strides = array<i32>} : memref<32xi32, #tpu.memory_space<vmem>>, vector<16xi32>,
    %broadcast_in_dim3A_454 = arith.constant -1 : i32
    %broadcast_in_dim3A_455 = vector.broadcast %broadcast_in_dim3A_454 : i32 to vector<16xi32>
    %get3A_456 = arith.constant 16 : index
    %get3A_457 = tpu.vector_load %arg12[%get3A_456] {strides = array<i32>} : memref<32xi32, #tpu.memory_space<vmem>>, vector<16xi32>,
    %select_n3A_458 = arith.select %lt3A_444, %broadcast_in_dim3A_455, %get3A_457 : vector<16xi1>, vector<16xi32>
    %swap3A_459 = arith.constant 16 : index
    %swap3A_460 = tpu.vector_load %arg15[%swap3A_459] {strides = array<i32>} : memref<32xi32, #tpu.memory_space<vmem>>, vector<16xi32>,
    tpu.vector_store %arg15[%swap3A_459], %select_n3A_458 {strides = array<i32>} : memref<32xi32, #tpu.memory_space<vmem>>, vector<16xi32>,
    "tpu.region"() ({
      %run_scoped3A = tpu.sem_alloc : memref<!tpu.dma_semaphore, #tpu.memory_space<semaphore_mem>>
      %dma_start3A = tpu.memref_slice %arg6[%mul3A_2] : memref<1024xf32, #tpu.memory_space<hbm>> -> memref<32xf32, #tpu.memory_space<hbm>>
      %dma_start3A_461 = tpu.memref_slice %arg6[%mul3A_2] : memref<1024xf32, #tpu.memory_space<hbm>> -> memref<32xf32, #tpu.memory_space<hbm>>
      tpu.enqueue_dma source(%arg13 : memref<32xf32, #tpu.memory_space<vmem>>) target(%dma_start3A_461 : memref<32xf32, #tpu.memory_space<hbm>>) target_semaphore(%run_scoped3A : memref<!tpu.dma_semaphore, #tpu.memory_space<semaphore_mem>>)
      %dma_wait3A = tpu.memref_slice %arg6[%mul3A_2] : memref<1024xf32, #tpu.memory_space<hbm>> -> memref<32xf32, #tpu.memory_space<hbm>>
      %dma_wait3A_462 = tpu.memref_slice %arg6[%mul3A_2] : memref<1024xf32, #tpu.memory_space<hbm>> -> memref<32xf32, #tpu.memory_space<hbm>>
      tpu.wait_dma2 semaphore(%run_scoped3A : memref<!tpu.dma_semaphore, #tpu.memory_space<semaphore_mem>>) src(%arg13 : memref<32xf32, #tpu.memory_space<vmem>>) dst(%dma_wait3A_462 : memref<32xf32, #tpu.memory_space<hbm>>)
      tpu.yield
    }) : () -> ()
    "tpu.region"() ({
      %run_scoped3A = tpu.sem_alloc : memref<!tpu.dma_semaphore, #tpu.memory_space<semaphore_mem>>
      %dma_start3A = tpu.memref_slice %arg7[%mul3A_2] : memref<1024xi32, #tpu.memory_space<hbm>> -> memref<32xi32, #tpu.memory_space<hbm>>
      %dma_start3A_461 = tpu.memref_slice %arg7[%mul3A_2] : memref<1024xi32, #tpu.memory_space<hbm>> -> memref<32xi32, #tpu.memory_space<hbm>>
      tpu.enqueue_dma source(%arg14 : memref<32xi32, #tpu.memory_space<vmem>>) target(%dma_start3A_461 : memref<32xi32, #tpu.memory_space<hbm>>) target_semaphore(%run_scoped3A : memref<!tpu.dma_semaphore, #tpu.memory_space<semaphore_mem>>)
      %dma_wait3A = tpu.memref_slice %arg7[%mul3A_2] : memref<1024xi32, #tpu.memory_space<hbm>> -> memref<32xi32, #tpu.memory_space<hbm>>
      %dma_wait3A_462 = tpu.memref_slice %arg7[%mul3A_2] : memref<1024xi32, #tpu.memory_space<hbm>> -> memref<32xi32, #tpu.memory_space<hbm>>
      tpu.wait_dma2 semaphore(%run_scoped3A : memref<!tpu.dma_semaphore, #tpu.memory_space<semaphore_mem>>) src(%arg14 : memref<32xi32, #tpu.memory_space<vmem>>) dst(%dma_wait3A_462 : memref<32xi32, #tpu.memory_space<hbm>>)
      tpu.yield
    }) : () -> ()
    "tpu.region"() ({
      %run_scoped3A = tpu.sem_alloc : memref<!tpu.dma_semaphore, #tpu.memory_space<semaphore_mem>>
      %dma_start3A = tpu.memref_slice %arg8[%mul3A_2] : memref<1024xi32, #tpu.memory_space<hbm>> -> memref<32xi32, #tpu.memory_space<hbm>>
      %dma_start3A_461 = tpu.memref_slice %arg8[%mul3A_2] : memref<1024xi32, #tpu.memory_space<hbm>> -> memref<32xi32, #tpu.memory_space<hbm>>
      tpu.enqueue_dma source(%arg15 : memref<32xi32, #tpu.memory_space<vmem>>) target(%dma_start3A_461 : memref<32xi32, #tpu.memory_space<hbm>>) target_semaphore(%run_scoped3A : memref<!tpu.dma_semaphore, #tpu.memory_space<semaphore_mem>>)
      %dma_wait3A = tpu.memref_slice %arg8[%mul3A_2] : memref<1024xi32, #tpu.memory_space<hbm>> -> memref<32xi32, #tpu.memory_space<hbm>>
      %dma_wait3A_462 = tpu.memref_slice %arg8[%mul3A_2] : memref<1024xi32, #tpu.memory_space<hbm>> -> memref<32xi32, #tpu.memory_space<hbm>>
      tpu.wait_dma2 semaphore(%run_scoped3A : memref<!tpu.dma_semaphore, #tpu.memory_space<semaphore_mem>>) src(%arg15 : memref<32xi32, #tpu.memory_space<vmem>>) dst(%dma_wait3A_462 : memref<32xi32, #tpu.memory_space<hbm>>)
      tpu.yield
    }) : () -> ()
    return
  }
}

module attributes {stable_mosaic.version = 14 : i64} {
  func.func @_knn_body(%arg0: i32, %arg1: memref<1024x128xf32, #tpu.memory_space<vmem>>, %arg2: memref<1024x128xf32, #tpu.memory_space<vmem>>, %arg3: memref<1024x1xf32, #tpu.memory_space<vmem>>, %arg4: memref<1024x128xi32, #tpu.memory_space<vmem>>, %arg5: memref<1024x128xf32, #tpu.memory_space<vmem>>, %arg6: memref<1024x128xi32, #tpu.memory_space<vmem>>) attributes {dimension_semantics = [#tpu.dimension_semantics<arbitrary>], iteration_bounds = array<i64: 98>, scalar_prefetch = 0 : i64, scratch_operands = 2 : i64, tpu.core_type = #tpu.core_type<tc>, window_params = [{pipeline_mode = #tpu.pipeline_mode<synchronous>, transform_indices = @transform_0, window_bounds = array<i64: 1024, 128>}, {transform_indices = @transform_1, window_bounds = array<i64: 1024, 128>}, {pipeline_mode = #tpu.pipeline_mode<synchronous>, transform_indices = @transform_2, window_bounds = array<i64: 1024, 1>}, {pipeline_mode = #tpu.pipeline_mode<synchronous>, transform_indices = @transform_3, window_bounds = array<i64: 1024, 128>}]} {
    %eq3A = arith.constant 0 : i32
    %eq3A_0 = arith.cmpi eq, %arg0, %eq3A : i32
    %convert_element_type3A = arith.extui %eq3A_0 : i1 to i32
    %cond3A = arith.constant 0 : i32
    %cond3A_1 = arith.cmpi ne, %convert_element_type3A, %cond3A : i32
    scf.if %cond3A_1 {
      %iota3A_71 = tpu.iota {dimensions = array<i32: 1>} : vector<1024x128xi32>
      %lt3A_72 = arith.constant 20 : i32
      %lt3A_73 = vector.broadcast %lt3A_72 : i32 to vector<1024x128xi32>
      %lt3A_74 = arith.cmpi slt, %iota3A_71, %lt3A_73 : vector<1024x128xi32>
      %broadcast_in_dim3A_75 = arith.constant 3.000000e+38 : f32
      %broadcast_in_dim3A_76 = vector.broadcast %broadcast_in_dim3A_75 : f32 to vector<1024x128xf32>
      %broadcast_in_dim3A_77 = arith.constant -1.000000e+00 : f32
      %broadcast_in_dim3A_78 = vector.broadcast %broadcast_in_dim3A_77 : f32 to vector<1024x128xf32>
      %select_n3A_79 = arith.select %lt3A_74, %broadcast_in_dim3A_76, %broadcast_in_dim3A_78 : vector<1024x128xi1>, vector<1024x128xf32>
      %swap3A_80 = arith.constant 0 : index
      %swap3A_81 = arith.constant 0 : index
      %swap3A_82 = vector.load %arg5[%swap3A_80, %swap3A_81] : memref<1024x128xf32, #tpu.memory_space<vmem>>, vector<1024x128xf32>
      tpu.vector_store %arg5[%swap3A_80, %swap3A_81], %select_n3A_79 {strides = array<i32>} : memref<1024x128xf32, #tpu.memory_space<vmem>>, vector<1024x128xf32>,
      %broadcast_in_dim3A_83 = arith.constant 0 : i32
      %broadcast_in_dim3A_84 = vector.broadcast %broadcast_in_dim3A_83 : i32 to vector<1024x128xi32>
      %swap3A_85 = arith.constant 0 : index
      %swap3A_86 = arith.constant 0 : index
      %swap3A_87 = vector.load %arg6[%swap3A_85, %swap3A_86] : memref<1024x128xi32, #tpu.memory_space<vmem>>, vector<1024x128xi32>
      tpu.vector_store %arg6[%swap3A_85, %swap3A_86], %broadcast_in_dim3A_84 {strides = array<i32>} : memref<1024x128xi32, #tpu.memory_space<vmem>>, vector<1024x128xi32>,
    } else {
    }
    %get3A = arith.constant 0 : index
    %get3A_2 = arith.constant 0 : index
    %get3A_3 = vector.load %arg1[%get3A, %get3A_2] : memref<1024x128xf32, #tpu.memory_space<vmem>>, vector<1024x128xf32>
    %get3A_4 = arith.constant 0 : index
    %get3A_5 = arith.constant 0 : index
    %get3A_6 = vector.load %arg2[%get3A_4, %get3A_5] : memref<1024x128xf32, #tpu.memory_space<vmem>>, vector<1024x128xf32>
    %dot_general3A = arith.constant dense<0.000000e+00> : vector<1024x1024xf32>
    %dot_general3A_7 = tpu.matmul %get3A_3, %get3A_6, %dot_general3A {dimension_numbers = #tpu.dot_dimension_numbers<[1], [1], [0], [0], [0, 0, 1, 0], [], []>, transpose_lhs_hint = false} : vector<1024x128xf32>, vector<1024x128xf32>, vector<1024x1024xf32> -> vector<1024x1024xf32>
    %mul3A = arith.mulf %get3A_3, %get3A_3 : vector<1024x128xf32>
    %reduce_sum3A = arith.constant dense<0.000000e+00> : vector<1024xf32>
    %reduce_sum3A_8 = vector.multi_reduction <add>, %mul3A, %reduce_sum3A [1] : vector<1024x128xf32> to vector<1024xf32>
    %broadcast_in_dim3A = vector.shape_cast %reduce_sum3A_8 : vector<1024xf32> to vector<1024x1xf32>
    %mul3A_9 = arith.mulf %get3A_6, %get3A_6 : vector<1024x128xf32>
    %reduce_sum3A_10 = arith.constant dense<0.000000e+00> : vector<1024xf32>
    %reduce_sum3A_11 = vector.multi_reduction <add>, %mul3A_9, %reduce_sum3A_10 [1] : vector<1024x128xf32> to vector<1024xf32>
    %mul3A_12 = arith.constant 2.000000e+00 : f32
    %mul3A_13 = vector.broadcast %mul3A_12 : f32 to vector<1024x1024xf32>
    %mul3A_14 = arith.mulf %mul3A_13, %dot_general3A_7 : vector<1024x1024xf32>
    %sub3A = vector.broadcast %broadcast_in_dim3A : vector<1024x1xf32> to vector<1024x1024xf32>
    %sub3A_15 = arith.subf %sub3A, %mul3A_14 : vector<1024x1024xf32>
    %broadcast_in_dim3A_16 = vector.shape_cast %reduce_sum3A_11 : vector<1024xf32> to vector<1x1024xf32>
    %add3A = vector.broadcast %broadcast_in_dim3A_16 : vector<1x1024xf32> to vector<1024x1024xf32>
    %add3A_17 = arith.addf %sub3A_15, %add3A : vector<1024x1024xf32>
    %max3A = arith.constant 0.000000e+00 : f32
    %max3A_18 = vector.broadcast %max3A : f32 to vector<1024x1024xf32>
    %max3A_19 = arith.maximumf %add3A_17, %max3A_18 : vector<1024x1024xf32>
    %add3A_20 = arith.constant 9.99999996E-13 : f32
    %add3A_21 = vector.broadcast %add3A_20 : f32 to vector<1024x1024xf32>
    %add3A_22 = arith.addf %max3A_19, %add3A_21 : vector<1024x1024xf32>
    %sqrt3A = math.sqrt %add3A_22 : vector<1024x1024xf32>
    %iota3A = tpu.iota {dimensions = array<i32: 1>} : vector<1024x1024xi32>
    %mul3A_23 = arith.constant 1024 : i32
    %mul3A_24 = arith.muli %arg0, %mul3A_23 : i32
    %add3A_25 = vector.broadcast %mul3A_24 : i32 to vector<1024x1024xi32>
    %add3A_26 = arith.addi %add3A_25, %iota3A : vector<1024x1024xi32>
    %lt3A = arith.constant 100000 : i32
    %lt3A_27 = vector.broadcast %lt3A : i32 to vector<1024x1024xi32>
    %lt3A_28 = arith.cmpi slt, %add3A_26, %lt3A_27 : vector<1024x1024xi32>
    %jit3A = arith.constant 3.000000e+38 : f32
    %broadcast_in_dim3A_29 = vector.broadcast %jit3A : f32 to vector<1024x1024xf32>
    %select_n3A = arith.select %lt3A_28, %sqrt3A, %broadcast_in_dim3A_29 : vector<1024x1024xi1>, vector<1024x1024xf32>
    %iota3A_30 = tpu.iota {dimensions = array<i32: 1>} : vector<1024x128xi32>
    %get3A_31 = arith.constant 0 : index
    %get3A_32 = arith.constant 0 : index
    %get3A_33 = vector.load %arg5[%get3A_31, %get3A_32] : memref<1024x128xf32, #tpu.memory_space<vmem>>, vector<1024x128xf32>
    %get3A_34 = arith.constant 0 : index
    %get3A_35 = arith.constant 0 : index
    %get3A_36 = vector.load %arg6[%get3A_34, %get3A_35] : memref<1024x128xi32, #tpu.memory_space<vmem>>, vector<1024x128xi32>
    %reduce_max3A = arith.constant dense<0xFF800000> : vector<1024xf32>
    %reduce_max3A_37 = vector.multi_reduction <maximumf>, %get3A_33, %reduce_max3A [1] : vector<1024x128xf32> to vector<1024xf32>
    %broadcast_in_dim3A_38 = vector.shape_cast %reduce_max3A_37 : vector<1024xf32> to vector<1024x1xf32>
    %lt3A_39 = vector.broadcast %broadcast_in_dim3A_38 : vector<1024x1xf32> to vector<1024x1024xf32>
    %lt3A_40 = arith.cmpf olt, %select_n3A, %lt3A_39 : vector<1024x1024xf32>
    %convert_element_type3A_41 = arith.extui %lt3A_40 : vector<1024x1024xi1> to vector<1024x1024xi32>
    %reduce_sum3A_42 = arith.constant dense<0> : vector<1024xi32>
    %reduce_sum3A_43 = vector.multi_reduction <add>, %convert_element_type3A_41, %reduce_sum3A_42 [1] : vector<1024x1024xi32> to vector<1024xi32>
    %broadcast_in_dim3A_44 = vector.shape_cast %reduce_sum3A_43 : vector<1024xi32> to vector<1024x1xi32>
    %reduce_max3A_45 = vector.shape_cast %broadcast_in_dim3A_44 : vector<1024x1xi32> to vector<1x1024x1xi32>
    %reduce_max3A_46 = arith.constant dense<-2147483648> : vector<1xi32>
    %reduce_max3A_47 = vector.multi_reduction <maxsi>, %reduce_max3A_45, %reduce_max3A_46 [1, 2] : vector<1x1024x1xi32> to vector<1xi32>
    %reduce_max3A_48 = vector.shape_cast %reduce_max3A_47 : vector<1xi32> to vector<1x1x1xi32>
    %reduce_max3A_49 = vector.extract %reduce_max3A_48[0, 0, 0] : i32 from vector<1x1x1xi32>
    %min3A = arith.constant 20 : i32
    %min3A_50 = arith.minsi %reduce_max3A_49, %min3A : i32
    %while3A = arith.constant 0 : i32
    %while3A_51 = arith.subi %min3A_50, %while3A : i32
    %while3A_52 = arith.addi %while3A, %while3A_51 : i32
    %while3A_53 = arith.constant 1 : i32
    %while3A_54 = arith.divsi %while3A_51, %while3A_53 : i32
    %while3A_55 = arith.muli %while3A_54, %while3A_53 : i32
    %while3A_56 = arith.addi %while3A, %while3A_55 : i32
    %while3A_57 = arith.constant 1 : i32
    %while3A_58:3 = scf.for %while3A_71 = %while3A to %while3A_56 step %while3A_57 iter_args(%while3A_72 = %select_n3A, %while3A_73 = %get3A_33, %while3A_74 = %get3A_36) -> (vector<1024x1024xf32>, vector<1024x128xf32>, vector<1024x128xi32>)  : i32 {
      %reduce_min3A = arith.constant dense<0x7F800000> : vector<1024xf32>
      %reduce_min3A_75 = vector.multi_reduction <minimumf>, %while3A_72, %reduce_min3A [1] : vector<1024x1024xf32> to vector<1024xf32>
      %broadcast_in_dim3A_76 = vector.shape_cast %reduce_min3A_75 : vector<1024xf32> to vector<1024x1xf32>
      %argmin3A = tpu.reduce_index %while3A_72 {axis = 1 : i32, kind = #tpu.reduction_kind<arg_min>} : vector<1024x1024xf32> -> vector<1024xi32>
      %mul3A_77 = arith.constant 1024 : i32
      %mul3A_78 = arith.muli %arg0, %mul3A_77 : i32
      %add3A_79 = vector.broadcast %mul3A_78 : i32 to vector<1024xi32>
      %add3A_80 = arith.addi %add3A_79, %argmin3A : vector<1024xi32>
      %reduce_max3A_81 = arith.constant dense<0xFF800000> : vector<1024xf32>
      %reduce_max3A_82 = vector.multi_reduction <maximumf>, %while3A_73, %reduce_max3A_81 [1] : vector<1024x128xf32> to vector<1024xf32>
      %broadcast_in_dim3A_83 = vector.shape_cast %reduce_max3A_82 : vector<1024xf32> to vector<1024x1xf32>
      %argmax3A = tpu.reduce_index %while3A_73 {axis = 1 : i32, kind = #tpu.reduction_kind<arg_max>} : vector<1024x128xf32> -> vector<1024xi32>
      %broadcast_in_dim3A_84 = vector.shape_cast %argmax3A : vector<1024xi32> to vector<1024x1xi32>
      %eq3A_85 = vector.broadcast %broadcast_in_dim3A_84 : vector<1024x1xi32> to vector<1024x128xi32>
      %eq3A_86 = arith.cmpi eq, %iota3A_30, %eq3A_85 : vector<1024x128xi32>
      %lt3A_87 = arith.cmpf olt, %broadcast_in_dim3A_76, %broadcast_in_dim3A_83 : vector<1024x1xf32>
      %and3A = vector.broadcast %lt3A_87 : vector<1024x1xi1> to vector<1024x128xi1>
      %and3A_88 = arith.andi %eq3A_86, %and3A : vector<1024x128xi1>
      %broadcast_in_dim3A_89 = vector.shape_cast %broadcast_in_dim3A_76 : vector<1024x1xf32> to vector<1024x1xf32>
      %broadcast_in_dim3A_90 = vector.broadcast %broadcast_in_dim3A_89 : vector<1024x1xf32> to vector<1024x128xf32>
      %select_n3A_91 = arith.select %and3A_88, %broadcast_in_dim3A_90, %while3A_73 : vector<1024x128xi1>, vector<1024x128xf32>
      %broadcast_in_dim3A_92 = vector.shape_cast %add3A_80 : vector<1024xi32> to vector<1024x1xi32>
      %broadcast_in_dim3A_93 = vector.shape_cast %broadcast_in_dim3A_92 : vector<1024x1xi32> to vector<1024x1xi32>
      %broadcast_in_dim3A_94 = vector.broadcast %broadcast_in_dim3A_93 : vector<1024x1xi32> to vector<1024x128xi32>
      %select_n3A_95 = arith.select %and3A_88, %broadcast_in_dim3A_94, %while3A_74 : vector<1024x128xi1>, vector<1024x128xi32>
      %broadcast_in_dim3A_96 = vector.shape_cast %argmin3A : vector<1024xi32> to vector<1024x1xi32>
      %eq3A_97 = vector.broadcast %broadcast_in_dim3A_96 : vector<1024x1xi32> to vector<1024x1024xi32>
      %eq3A_98 = arith.cmpi eq, %iota3A, %eq3A_97 : vector<1024x1024xi32>
      %jit3A_99 = arith.constant 3.000000e+38 : f32
      %broadcast_in_dim3A_100 = vector.broadcast %jit3A_99 : f32 to vector<1024x1024xf32>
      %select_n3A_101 = arith.select %eq3A_98, %broadcast_in_dim3A_100, %while3A_72 : vector<1024x1024xi1>, vector<1024x1024xf32>
      scf.yield %select_n3A_101, %select_n3A_91, %select_n3A_95 : vector<1024x1024xf32>, vector<1024x128xf32>, vector<1024x128xi32>
    }
    %while3A_59 = arith.constant 1 : i32
    %while3A_60:3 = scf.for %while3A_71 = %while3A_56 to %while3A_52 step %while3A_59 iter_args(%while3A_72 = %while3A_58#0, %while3A_73 = %while3A_58#1, %while3A_74 = %while3A_58#2) -> (vector<1024x1024xf32>, vector<1024x128xf32>, vector<1024x128xi32>)  : i32 {
      %reduce_min3A = arith.constant dense<0x7F800000> : vector<1024xf32>
      %reduce_min3A_75 = vector.multi_reduction <minimumf>, %while3A_72, %reduce_min3A [1] : vector<1024x1024xf32> to vector<1024xf32>
      %broadcast_in_dim3A_76 = vector.shape_cast %reduce_min3A_75 : vector<1024xf32> to vector<1024x1xf32>
      %argmin3A = tpu.reduce_index %while3A_72 {axis = 1 : i32, kind = #tpu.reduction_kind<arg_min>} : vector<1024x1024xf32> -> vector<1024xi32>
      %mul3A_77 = arith.constant 1024 : i32
      %mul3A_78 = arith.muli %arg0, %mul3A_77 : i32
      %add3A_79 = vector.broadcast %mul3A_78 : i32 to vector<1024xi32>
      %add3A_80 = arith.addi %add3A_79, %argmin3A : vector<1024xi32>
      %reduce_max3A_81 = arith.constant dense<0xFF800000> : vector<1024xf32>
      %reduce_max3A_82 = vector.multi_reduction <maximumf>, %while3A_73, %reduce_max3A_81 [1] : vector<1024x128xf32> to vector<1024xf32>
      %broadcast_in_dim3A_83 = vector.shape_cast %reduce_max3A_82 : vector<1024xf32> to vector<1024x1xf32>
      %argmax3A = tpu.reduce_index %while3A_73 {axis = 1 : i32, kind = #tpu.reduction_kind<arg_max>} : vector<1024x128xf32> -> vector<1024xi32>
      %broadcast_in_dim3A_84 = vector.shape_cast %argmax3A : vector<1024xi32> to vector<1024x1xi32>
      %eq3A_85 = vector.broadcast %broadcast_in_dim3A_84 : vector<1024x1xi32> to vector<1024x128xi32>
      %eq3A_86 = arith.cmpi eq, %iota3A_30, %eq3A_85 : vector<1024x128xi32>
      %lt3A_87 = arith.cmpf olt, %broadcast_in_dim3A_76, %broadcast_in_dim3A_83 : vector<1024x1xf32>
      %and3A = vector.broadcast %lt3A_87 : vector<1024x1xi1> to vector<1024x128xi1>
      %and3A_88 = arith.andi %eq3A_86, %and3A : vector<1024x128xi1>
      %broadcast_in_dim3A_89 = vector.shape_cast %broadcast_in_dim3A_76 : vector<1024x1xf32> to vector<1024x1xf32>
      %broadcast_in_dim3A_90 = vector.broadcast %broadcast_in_dim3A_89 : vector<1024x1xf32> to vector<1024x128xf32>
      %select_n3A_91 = arith.select %and3A_88, %broadcast_in_dim3A_90, %while3A_73 : vector<1024x128xi1>, vector<1024x128xf32>
      %broadcast_in_dim3A_92 = vector.shape_cast %add3A_80 : vector<1024xi32> to vector<1024x1xi32>
      %broadcast_in_dim3A_93 = vector.shape_cast %broadcast_in_dim3A_92 : vector<1024x1xi32> to vector<1024x1xi32>
      %broadcast_in_dim3A_94 = vector.broadcast %broadcast_in_dim3A_93 : vector<1024x1xi32> to vector<1024x128xi32>
      %select_n3A_95 = arith.select %and3A_88, %broadcast_in_dim3A_94, %while3A_74 : vector<1024x128xi1>, vector<1024x128xi32>
      %broadcast_in_dim3A_96 = vector.shape_cast %argmin3A : vector<1024xi32> to vector<1024x1xi32>
      %eq3A_97 = vector.broadcast %broadcast_in_dim3A_96 : vector<1024x1xi32> to vector<1024x1024xi32>
      %eq3A_98 = arith.cmpi eq, %iota3A, %eq3A_97 : vector<1024x1024xi32>
      %jit3A_99 = arith.constant 3.000000e+38 : f32
      %broadcast_in_dim3A_100 = vector.broadcast %jit3A_99 : f32 to vector<1024x1024xf32>
      %select_n3A_101 = arith.select %eq3A_98, %broadcast_in_dim3A_100, %while3A_72 : vector<1024x1024xi1>, vector<1024x1024xf32>
      scf.yield %select_n3A_101, %select_n3A_91, %select_n3A_95 : vector<1024x1024xf32>, vector<1024x128xf32>, vector<1024x128xi32>
    }
    %swap3A = arith.constant 0 : index
    %swap3A_61 = arith.constant 0 : index
    %swap3A_62 = vector.load %arg5[%swap3A, %swap3A_61] : memref<1024x128xf32, #tpu.memory_space<vmem>>, vector<1024x128xf32>
    tpu.vector_store %arg5[%swap3A, %swap3A_61], %while3A_60#1 {strides = array<i32>} : memref<1024x128xf32, #tpu.memory_space<vmem>>, vector<1024x128xf32>,
    %swap3A_63 = arith.constant 0 : index
    %swap3A_64 = arith.constant 0 : index
    %swap3A_65 = vector.load %arg6[%swap3A_63, %swap3A_64] : memref<1024x128xi32, #tpu.memory_space<vmem>>, vector<1024x128xi32>
    tpu.vector_store %arg6[%swap3A_63, %swap3A_64], %while3A_60#2 {strides = array<i32>} : memref<1024x128xi32, #tpu.memory_space<vmem>>, vector<1024x128xi32>,
    %eq3A_66 = arith.constant 97 : i32
    %eq3A_67 = arith.cmpi eq, %arg0, %eq3A_66 : i32
    %convert_element_type3A_68 = arith.extui %eq3A_67 : i1 to i32
    %cond3A_69 = arith.constant 0 : i32
    %cond3A_70 = arith.cmpi ne, %convert_element_type3A_68, %cond3A_69 : i32
    scf.if %cond3A_70 {
      %lt3A_71 = arith.constant 20 : i32
      %lt3A_72 = vector.broadcast %lt3A_71 : i32 to vector<1024x128xi32>
      %lt3A_73 = arith.cmpi slt, %iota3A_30, %lt3A_72 : vector<1024x128xi32>
      %get3A_74 = arith.constant 0 : index
      %get3A_75 = arith.constant 0 : index
      %get3A_76 = vector.load %arg5[%get3A_74, %get3A_75] : memref<1024x128xf32, #tpu.memory_space<vmem>>, vector<1024x128xf32>
      %jit3A_77 = arith.constant 0.000000e+00 : f32
      %broadcast_in_dim3A_78 = vector.broadcast %jit3A_77 : f32 to vector<1024x128xf32>
      %select_n3A_79 = arith.select %lt3A_73, %get3A_76, %broadcast_in_dim3A_78 : vector<1024x128xi1>, vector<1024x128xf32>
      %reduce_sum3A_80 = arith.constant dense<0.000000e+00> : vector<1024xf32>
      %reduce_sum3A_81 = vector.multi_reduction <add>, %select_n3A_79, %reduce_sum3A_80 [1] : vector<1024x128xf32> to vector<1024xf32>
      %broadcast_in_dim3A_82 = vector.shape_cast %reduce_sum3A_81 : vector<1024xf32> to vector<1024x1xf32>
      %div3A = arith.constant 2.000000e+01 : f32
      %div3A_83 = vector.broadcast %div3A : f32 to vector<1024x1xf32>
      %div3A_84 = arith.divf %broadcast_in_dim3A_82, %div3A_83 : vector<1024x1xf32>
      %add3A_85 = arith.constant 1.000000e-10 : f32
      %add3A_86 = vector.broadcast %add3A_85 : f32 to vector<1024x1xf32>
      %add3A_87 = arith.addf %div3A_84, %add3A_86 : vector<1024x1xf32>
      %div3A_88 = arith.constant 1.000000e+00 : f32
      %div3A_89 = vector.broadcast %div3A_88 : f32 to vector<1024x1xf32>
      %div3A_90 = arith.divf %div3A_89, %add3A_87 : vector<1024x1xf32>
      %swap3A_91 = arith.constant 0 : index
      %swap3A_92 = arith.constant 0 : index
      %swap3A_93 = vector.load %arg3[%swap3A_91, %swap3A_92] : memref<1024x1xf32, #tpu.memory_space<vmem>>, vector<1024x1xf32>
      tpu.vector_store %arg3[%swap3A_91, %swap3A_92], %div3A_90 {strides = array<i32>} : memref<1024x1xf32, #tpu.memory_space<vmem>>, vector<1024x1xf32>,
      %get3A_94 = arith.constant 0 : index
      %get3A_95 = arith.constant 0 : index
      %get3A_96 = vector.load %arg6[%get3A_94, %get3A_95] : memref<1024x128xi32, #tpu.memory_space<vmem>>, vector<1024x128xi32>
      %swap3A_97 = arith.constant 0 : index
      %swap3A_98 = arith.constant 0 : index
      %swap3A_99 = vector.load %arg4[%swap3A_97, %swap3A_98] : memref<1024x128xi32, #tpu.memory_space<vmem>>, vector<1024x128xi32>
      tpu.vector_store %arg4[%swap3A_97, %swap3A_98], %get3A_96 {strides = array<i32>} : memref<1024x128xi32, #tpu.memory_space<vmem>>, vector<1024x128xi32>,
    } else {
    }
    return
  }
  func.func @transform_0(%arg0: i32) -> (i32, i32) {
    %c0_i32 = arith.constant 0 : i32
    %c0_i32_0 = arith.constant 0 : i32
    %c0_i32_1 = arith.constant 0 : i32
    return %c0_i32, %c0_i32_0 : i32, i32
  }
  func.func @transform_1(%arg0: i32) -> (i32, i32) {
    %c0_i32 = arith.constant 0 : i32
    %c0_i32_0 = arith.constant 0 : i32
    return %arg0, %c0_i32 : i32, i32
  }
  func.func @transform_2(%arg0: i32) -> (i32, i32) {
    %c0_i32 = arith.constant 0 : i32
    %c0_i32_0 = arith.constant 0 : i32
    %c0_i32_1 = arith.constant 0 : i32
    return %c0_i32, %c0_i32_0 : i32, i32
  }
  func.func @transform_3(%arg0: i32) -> (i32, i32) {
    %c0_i32 = arith.constant 0 : i32
    %c0_i32_0 = arith.constant 0 : i32
    %c0_i32_1 = arith.constant 0 : i32
    return %c0_i32, %c0_i32_0 : i32, i32
  }
}

module attributes {stable_mosaic.version = 14 : i64} {
  func.func @_enc_body(%arg0: memref<1024x256xf32, #tpu.memory_space<vmem>>, %arg1: memref<256x128xf32, #tpu.memory_space<vmem>>, %arg2: memref<128x1000xf32, #tpu.memory_space<vmem>>, %arg3: memref<1024x128xf32, #tpu.memory_space<vmem>>, %arg4: memref<1024x1xi32, #tpu.memory_space<vmem>>) attributes {dimension_semantics = [], scalar_prefetch = 0 : i64, scratch_operands = 0 : i64, tpu.core_type = #tpu.core_type<tc>} {
    %get3A = arith.constant 0 : index
    %get3A_0 = arith.constant 0 : index
    %get3A_1 = vector.load %arg0[%get3A, %get3A_0] : memref<1024x256xf32, #tpu.memory_space<vmem>>, vector<1024x256xf32>
    %get3A_2 = arith.constant 0 : index
    %get3A_3 = arith.constant 0 : index
    %get3A_4 = vector.load %arg1[%get3A_2, %get3A_3] : memref<256x128xf32, #tpu.memory_space<vmem>>, vector<256x128xf32>
    %dot_general3A = arith.constant dense<0.000000e+00> : vector<1024x128xf32>
    %dot_general3A_5 = tpu.matmul %get3A_1, %get3A_4, %dot_general3A {dimension_numbers = #tpu.dot_dimension_numbers<[1], [0], [0], [1], [0, 0, 1, 1], [], []>, transpose_lhs_hint = false} : vector<1024x256xf32>, vector<256x128xf32>, vector<1024x128xf32> -> vector<1024x128xf32>
    %swap3A = arith.constant 0 : index
    %swap3A_6 = arith.constant 0 : index
    %swap3A_7 = vector.load %arg3[%swap3A, %swap3A_6] : memref<1024x128xf32, #tpu.memory_space<vmem>>, vector<1024x128xf32>
    tpu.vector_store %arg3[%swap3A, %swap3A_6], %dot_general3A_5 {strides = array<i32>} : memref<1024x128xf32, #tpu.memory_space<vmem>>, vector<1024x128xf32>,
    %get3A_8 = arith.constant 0 : index
    %get3A_9 = arith.constant 0 : index
    %get3A_10 = vector.load %arg2[%get3A_8, %get3A_9] : memref<128x1000xf32, #tpu.memory_space<vmem>>, vector<128x1000xf32>
    %dot_general3A_11 = arith.constant dense<0.000000e+00> : vector<1024x1000xf32>
    %dot_general3A_12 = tpu.matmul %dot_general3A_5, %get3A_10, %dot_general3A_11 {dimension_numbers = #tpu.dot_dimension_numbers<[1], [0], [0], [1], [0, 0, 1, 1], [], []>, transpose_lhs_hint = false} : vector<1024x128xf32>, vector<128x1000xf32>, vector<1024x1000xf32> -> vector<1024x1000xf32>
    %argmax3A = tpu.reduce_index %dot_general3A_12 {axis = 1 : i32, kind = #tpu.reduction_kind<arg_max>} : vector<1024x1000xf32> -> vector<1024xi32>
    %broadcast_in_dim3A = vector.shape_cast %argmax3A : vector<1024xi32> to vector<1024x1xi32>
    %swap3A_13 = arith.constant 0 : index
    %swap3A_14 = arith.constant 0 : index
    %swap3A_15 = vector.load %arg4[%swap3A_13, %swap3A_14] : memref<1024x1xi32, #tpu.memory_space<vmem>>, vector<1024x1xi32>
    tpu.vector_store %arg4[%swap3A_13, %swap3A_14], %broadcast_in_dim3A {strides = array<i32>} : memref<1024x1xi32, #tpu.memory_space<vmem>>, vector<1024x1xi32>,
    return
  }
}

</mosaic_0001>

<sc_bundles>
// kernel: kernel.5.cloned.1.call-start
scs
__scs_entry_jumppad:
0x0: {  	(pc) =	sbr.rel $0x88, $3  }
0x1: {  	(tag) =	ssettag $0x0;
	lr =	simm.s32 $0x1  }
0x2: {  	[smem:$0x3F9C] =	sst lr;
	_ =	strace $0xD0000000  }
0x3: {  	_ = 	snop  }
0x4: {  	_ = 	snop  }
0x5: {  	_ = 	snop  }
0x6: {  	_ = 	snop  }
0x7: {  	_ = 	snop  }
__scs_overlays_trampoline_lowered:
0x8: {  	[smem:$0x3FAB] =	sst s0  }
0x9: {  	[smem:$0x3FAC] =	sst s1  }
0xa: {  	[smem:$0x3FAD] =	sst s2  }
0xb: {  	[smem:$0x3FAE] =	sst s3  }
0xc: {  	[smem:$0x3FAF] =	sst s4  }
0xd: {  	[smem:$0x3FB0] =	sst s5  }
0xe: {  	[smem:$0x3FB1] =	sst s6  }
0xf: {  	[smem:$0x3FB2] =	sst s7  }
0x10: {  	[smem:$0x3FB3] =	sst s8  }
0x11: {  	[smem:$0x3FB4] =	sst s9;
	s0 =	simm.s32 @!p0 $0x0  }
0x12: {  	s1 =	sld [smem:$0x3F9A];
	s0 =	simm.s32 @p0 $0x1  }
0x13: {  	[smem:$0x3FB5] =	sst s0;
	s0 =	simm.s32 @!p1 $0x0  }
0x14: {  	s2 =	sld [smem:$0x3F99];
	s0 =	simm.s32 @p1 $0x1  }
0x15: {  	[smem:$0x3FB6] =	sst s0;
	s0 =	simm.s32 @!p2 $0x0  }
0x16: {  	s3 =	sld [smem:$0x3FDB];
	s0 =	simm.s32 @p2 $0x1  }
0x17: {  	s4 =	simm.s32 $0x1BF5;
	[smem:$0x3FB8] =	sst s0  }
0x18: {  	s0 =	sld [smem:$0x3F9B];
	_ =	swait.ge [sflag:s4], $0x0  }
0x19: {  	s7 =	sld [smem:$0x3F9C]  }
0x1a: {  	s8 =	sadd.s32 $0xFFFFE003, lr  }
0x1b: {  	s9 =	sadd.s32 $0xFFFFFEF7, lr;
	s5 =	simm.s32 $0xFFFFFFFF;
	p2 =	slt.u32 s8, $0xFFFFF086  }
0x1c: {  	p1 =	slt.u32 s9, $0xF7A;
	s5 =	simm.s32 @!p2 $0x0  }
0x1d: {  	s5 =	simm.s32 @p1 $0x1;
	p0 =	seq.s32 s7, s2  }
0x1e: {  	s7 =	smul.u32 @!p0 $0xF7A, s2;
	p2 =	seq.s32 @!p0 s5, $0x0  }
0x1f: {  	s9 =	smul.u32 $0xF7A, s1;
	s8 =	simm.s32 @!p0 $0x1BF5;
	p2 =	por !p2, p0  }
0x20: {  	[sflag:s8] =	ssyncset.s32 @!p0 $0xFFFFF086;
	s6 =	sadd.s32 @!p0 s3, s7;
	s7 =	simm.s32 @!p0 $0x108  }
0x21: {  	s3 =	sadd.s32 s3, s9;
	s6 =	sadd.s32 @!p0 $0x88, s6;
	s7 =	simm.s32 @p2 $0x1082  }
0x22: {  	[simem:s7], [sflag:s8] =	dma.local @!p0 [hbm:s6], $0xF7A  }
0x23: {  	s9 =	sor.u32 $0xD0000000, s2;
	s6 =	simm.s32 $0x108;
	_ =	swait.ge @!p0 [sflag:s8], $0x0  }
0x24: {  	s3 =	sadd.s32 $0x88, s3;
	s6 =	simm.s32 @!p1 $0x1082;
	[sflag:s4] =	ssyncset.s32 $0xFFFFF086  }
0x25: {  	[simem:s6], [sflag:s4] =	dma.local [hbm:s3], $0xF7A  }
0x26: {  	[smem:$0x3F9C] =	sst s1;
	(tag) =	ssettag s2;
	_ =	strace s9  }
0x27: {  	s1 =	sld [smem:$0x3FAC]  }
0x28: {  	s2 =	sld [smem:$0x3FAD]  }
0x29: {  	s4 =	sld [smem:$0x3FAF]  }
0x2a: {  	p0 =	seq.s32 s5, $0x0;
	s5 =	sld [smem:$0x3FB0]  }
0x2b: {  	s6 =	sld [smem:$0x3FB1]  }
0x2c: {  	s7 =	sld [smem:$0x3FB2]  }
0x2d: {  	s3 =	simm.s32 $0x108;
	s8 =	sld [smem:$0x3FB3]  }
0x2e: {  	s3 =	simm.s32 @!p0 $0x1082;
	s9 =	sld [smem:$0x3FB4]  }
0x2f: {  	lr =	sadd.s32 s0, s3;
	s0 =	sld [smem:$0x3FAB]  }
0x30: {  	s3 =	sld [smem:$0x3FAE]  }
0x31: {  	[smem:$0x3FB7] =	sst s10  }
0x32: {  	s10 =	sld [smem:$0x3FB5];
	_ =	sdelay $0x3  }
0x33: {  	p0 =	seq.s32 s10, $0x1;
	s10 =	sld [smem:$0x3FB7];
	_ =	sdelay $0x3  }
0x34: {  	[smem:$0x3FB7] =	sst s10  }
0x35: {  	s10 =	sld [smem:$0x3FB6];
	_ =	sdelay $0x3  }
0x36: {  	p1 =	seq.s32 s10, $0x1;
	s10 =	sld [smem:$0x3FB7];
	_ =	sdelay $0x3  }
0x37: {  	[smem:$0x3FB7] =	sst s10  }
0x38: {  	s10 =	sld [smem:$0x3FB8]  }
0x39: {  	_ = 	snop;
	(pc) =	sbr.ind lr, $3  }
0x3a: {  	_ = 	snop  }
0x3b: {  	_ = 	snop  }
0x3c: {  	p2 =	seq.s32 s10, $0x1;
	s10 =	sld [smem:$0x3FB7]  }
0x3d: {  	_ =	shalt  }
0x3e: {  	_ =	shalt  }
0x3f: {  	_ =	shalt  }
0x40: {  	_ =	shalt  }
0x41: {  	_ =	shalt  }
0x42: {  	_ =	shalt  }
0x43: {  	_ =	shalt  }
0x44: {  	_ =	shalt  }
0x45: {  	_ =	shalt  }
0x46: {  	_ =	shalt  }
0x47: {  	_ =	shalt  }
0x48: {  	_ =	shalt  }
0x49: {  	_ =	shalt  }
0x4a: {  	_ =	shalt  }
0x4b: {  	_ =	shalt  }
0x4c: {  	_ =	shalt  }
0x4d: {  	_ =	shalt  }
0x4e: {  	_ =	shalt  }
0x4f: {  	_ =	shalt  }
0x50: {  	_ =	shalt  }
0x51: {  	_ =	shalt  }
0x52: {  	_ =	shalt  }
0x53: {  	_ =	shalt  }
0x54: {  	_ =	shalt  }
0x55: {  	_ =	shalt  }
0x56: {  	_ =	shalt  }
0x57: {  	_ =	shalt  }
0x58: {  	_ =	shalt  }
0x59: {  	_ =	shalt  }
0x5a: {  	_ =	shalt  }
0x5b: {  	_ =	shalt  }
0x5c: {  	_ =	shalt  }
0x5d: {  	_ =	shalt  }
0x5e: {  	_ =	shalt  }
0x5f: {  	_ =	shalt  }
0x60: {  	_ =	shalt  }
0x61: {  	_ =	shalt  }
0x62: {  	_ =	shalt  }
0x63: {  	_ =	shalt  }
0x64: {  	_ =	shalt  }
0x65: {  	_ =	shalt  }
0x66: {  	_ =	shalt  }
0x67: {  	_ =	shalt  }
0x68: {  	_ =	shalt  }
0x69: {  	_ =	shalt  }
0x6a: {  	_ =	shalt  }
0x6b: {  	_ =	shalt  }
0x6c: {  	_ =	shalt  }
0x6d: {  	_ =	shalt  }
0x6e: {  	_ =	shalt  }
0x6f: {  	_ =	shalt  }
0x70: {  	_ =	shalt  }
0x71: {  	_ =	shalt  }
0x72: {  	_ =	shalt  }
0x73: {  	_ =	shalt  }
0x74: {  	_ =	shalt  }
0x75: {  	_ =	shalt  }
0x76: {  	_ =	shalt  }
0x77: {  	_ =	shalt  }
0x78: {  	_ =	shalt  }
0x79: {  	_ =	shalt  }
0x7a: {  	_ =	shalt  }
0x7b: {  	_ =	shalt  }
0x7c: {  	_ =	shalt  }
0x7d: {  	_ =	shalt  }
0x7e: {  	_ =	shalt  }
0x7f: {  	_ =	shalt  }
0x80: {  	_ =	shalt  }
0x81: {  	_ =	shalt  }
0x82: {  	_ =	shalt  }
0x83: {  	_ =	shalt  }
0x84: {  	_ =	shalt  }
0x85: {  	_ =	shalt  }
0x86: {  	_ =	shalt  }
0x87: {  	_ =	shalt  }
.Lfunc_end0:
.L_simem_size_0:
called_computation_lowered:
.L_overlay_start_0:
0x88: {  	s2 =	sld [smem:$0x3FD9]  }
0x89: {  	s3 =	sld [smem:$0x3FFE];
	_ =	sdelay $0x1  }
0x8a: {  	s1 =	srdreg.scid  }
0x8b: {  	s0 =	sand.u32 $0x1, s1  }
0x8c: {  	s14 =	sshll.u32 s0, $0xA;
	s2 =	sadd.s32 s3, s2  }
0x8d: {  	s2 =	sadd.s32 s2, s14  }
0x8e: {  	[smem:$0x3FC3] =	sst s2  }
0x8f: {  	_ = 	snop  }
0x90: {  	s2 =	sld [smem:$0x3FD0];
	_ =	sdelay $0x2  }
0x91: {  	s4 =	simm.s32 $0xA;
	s5 =	simm.s32 $0x10;
	s15 =	sld [smem:$0x3FC7]  }
0x92: {  	[smem:s5], [sflag:s4] =	dma.local [hbm:s2], $0x1  }
0x93: {  	_ =	swait.eq [sflag:s4], $0x1  }
0x94: {  	[sflag:s4] =	ssyncset.done $0x0  }
0x95: {  	s16 =	sld [smem:$0x11];
	[sflag:s4] =	ssyncadd.s32 $0xFFFFFFFF  }
0x96: {  	s17 =	sld [smem:$0x12];
	(tm) =	ssettm $0x1  }
0x97: {  	s18 =	sld [smem:$0x3FFB];
	_ =	sdelay $0x3  }
0x98: {  	_ =	strace s18  }
0x99: {  	s5 =	sld [smem:$0x3FFC];
	_ =	sdelay $0x3  }
0x9a: {  	_ =	strace s5  }
0x9b: {  	s5 =	sld [smem:$0x3FFD];
	_ =	sdelay $0x3  }
0x9c: {  	_ =	strace s5  }
0x9d: {  	_ =	strace $0x8FFFFFFF  }
0x9e: {  	s19 =	sld [smem:$0x3FDB];
	_ =	sdelay $0x1  }
0x9f: {  	s6 =	simm.s32 $_scs_section_size  }
0xa0: {  	s7 =	simm.s32 $_size__tile_overlayer_lowered;
	s8 =	simm.s32 $_tile_overlayer_lowered  }
0xa1: {  	s22 =	simm.s32 $0x1BFF;
	s21 =	sshll.u32 s8, $0x1;
	s5 =	sadd.s32 s6, s19  }
0xa2: {  	s9 =	simm.s32 $0x0;
	s20 =	sshll.u32 s7, $0x1;
	s7 =	sadd.s32 s21, s5  }
0xa3: {  	[timem:s9], [sflag:s22] =	dma.local [hbm:s7], s20  }
0xa4: {  	_ =	swait.ge [sflag:s22], s20  }
0xa5: {  	s6 =	ssub.s32 $0x0, s20;
	[sflag:s22] =	ssyncset.done $0x0  }
0xa6: {  	[sflag:s22] =	ssyncadd.s32 s6;
	_ =	sdelay $0x1  }
0xa7: {  	s23 =	simm.s32 $0x1B8B  }
0xa8: {  	_ =	swait.ge [sflag:s23], $0x1  }
0xa9: {  	[sflag:s23] =	ssyncset.done $0x0  }
0xaa: {  	s25 =	simm.s32 $0x1B8E;
	s24 =	sld [smem:$0x3FFE];
	[sflag:s23] =	ssyncadd.s32 $0xFFFFFFFF  }
0xab: {  	s26 =	simm.s32 $execute0_lowered;
	[smem:$0x3FD2] =	sst s25  }
0xac: {  	s7 =	sshll.u32 s26, $0x1;
	_ =	strace $0x80000046;
	[dreg:$0x1] =	wrdreg $0xFFFFFFFF  }
0xad: {  	s28 =	simm.s32 $_size_execute0_lowered;
	s5 =	sadd.s32 s5, s7;
	[dreg:$0x0] =	wrdreg $0x0  }
0xae: {  	s7 =	sshll.u32 s28, $0x1;
	[dreg:$0x2] =	wrdreg s5  }
0xaf: {  	[dreg:$0x3] =	wrdreg s7  }
0xb0: {  	[dreg:$0x4] =	wrdreg $0xC0  }
0xb1: {  	_ =	task [dreg:s9], $0x5FFFF  }
0xb2: {  	[dreg:$0x1] =	wrdreg $0xFFFFFFFF  }
0xb3: {  	[dreg:$0x0] =	wrdreg $0x60  }
0xb4: {  	[dreg:$0x2] =	wrdreg s15  }
0xb5: {  	[dreg:$0x3] =	wrdreg s24  }
0xb6: {  	[dreg:$0x4] =	wrdreg s17  }
0xb7: {  	[dreg:$0x5] =	wrdreg s16  }
0xb8: {  	[dreg:$0x6] =	wrdreg $0x9  }
0xb9: {  	_ =	task.clear_ibuf [dreg:s9], $0x7FFFF;
	_ =	strace $0x90000046  }
0xba: {  	s29 =	simm.s32 $0x9;
	_ =	strace $0x80000048  }
0xbb: {  	_ =	swait.ge [sflag:s29], $0x1  }
0xbc: {  	[sflag:s29] =	ssyncadd.s32 $0xFFFFFFFF  }
0xbd: {  	_ =	strace $0x90000048  }
0xbe: {  	_ =	sfence  }
0xbf: {  	s30 =	sld [smem:$0x0];
	_ =	sdelay $0x2  }
0xc0: {  	s31 =	sshll.u32 s1, $0xD;
	s1 =	sshrl.u32 s1, $0x2  }
0xc1: {  	s3 =	sand.u32 $0x4000, s31;
	s1 =	sadd.s32 s1, s30  }
0xc2: {  	s0 =	sor.u32 s3, s0;
	s1 =	sshll.u32 s1, $0x11  }
0xc3: {  	s0 =	sor.u32 s1, s0  }
0xc4: {  	s0 =	sadd.s32 $0x8F2B, s0  }
0xc5: {  	[sflag:s0] =	ssyncadd.remote.s32 $0x1  }
0xc6: {  	_ =	sfence.sel $0xFFFF  }
0xc7: {  	[dreg:$0x0] =	wrdreg $0xFFFFFFFF;
	(pc) =	sbr.abs _section_cstart, $3  }
0xc8: {  	[dreg:$0x1] =	wrdreg $0xFFFFFFFF  }
0xc9: {  	_ =	task.clear_ibuf [dreg:s9], $0x2FFFF;
	_ =	strace $0x9FFFFFFF  }
0xca: {  	(tm) =	ssettm $0x7FFFFFFF  }
0xcb: {  	_ =	shalt  }
tec
execute0_lowered:
.L_overlay_start_1:
0x0: {  	(tag) =	ssettag $0x1  }
0x1: {  	s2 =	rddreg [dreg:$0x0]  }
0x2: {  	s7 =	rddreg [dreg:$0x1]  }
0x3: {  	s11 =	rddreg [dreg:$0x2]  }
0x4: {  	s15 =	rddreg [dreg:$0x3]  }
0x5: {  	s0 =	rddreg [dreg:$0x4]  }
0x6: {  	s4 =	srdreg.scid;
	s1 =	stileid.u32  }
0x7: {  	s3 =	simm.s32 $0x0;
	s13 =	sand.u32 $0x1, s4;
	s31 =	sshll.u32 s1, $0x1  }
0x8: {  	[smem:$0x7FF] =	sst s3;
	s8 =	sor.u32 s13, s31  }
0x9: {  	s4 =	simm.s32 $0x1;
	_ =	strace $0x80000047;
	s5 =	smul.u32 $0x180, s8  }
0xa: {  	[tilespmem:s3], [sflag:$0x1] =	stream.linear.gather [hbm4b:s2+s3], $0x18700, $0x38;
	[tilespmem:$0x19580] =	vst v63  }
0xb: {  	_ =	swait.ge [sflag:s4], $0x18700  }
0xc: {  	s5 =	sadd.s32 s5, s7;
	[sflag:s4] =	ssyncset.done $0x0  }
0xd: {  	s6 =	simm.s32 $0x18700;
	s5 =	sadd.s32 $0x600, s5;
	[sflag:s4] =	ssyncadd.s32 $0xFFFE7900  }
0xe: {  	[tilespmem:s6], [sflag:$0x1] =	stream.linear.gather [hbm4b:s5+s3], $0xA00, $0x38;
	[tilespmem:$0x19580] =	vst v63  }
0xf: {  	s16 =	sshll.u32 s8, $0x2;
	_ =	swait.ge [sflag:s4], $0xA00  }
0x10: {  	s14 =	sadd.s32 s16, s7;
	[sflag:s4] =	ssyncset.done $0x0  }
0x11: {  	s8 =	simm.s32 $0x19300;
	s7 =	sadd.s32 $0x3800, s14;
	[sflag:s4] =	ssyncadd.s32 $0xFFFFF600  }
0x12: {  	[tilespmem:s8], [sflag:$0x1] =	stream.linear.gather [hbm4b:s7+s3], $0x20, $0x38;
	[tilespmem:$0x19580] =	vst v63  }
0x13: {  	_ =	swait.ge [sflag:s4], $0x20  }
0x14: {  	[sflag:s4] =	ssyncset.done $0x0  }
0x15: {  	s10 =	simm.s32 $0x19380;
	s9 =	sadd.s32 $0x3600, s14;
	[sflag:s4] =	ssyncadd.s32 $0xFFFFFFE0  }
0x16: {  	[tilespmem:s10], [sflag:$0x1] =	stream.linear.gather [hbm4b:s9+s3], $0x20, $0x38;
	[tilespmem:$0x19580] =	vst v63  }
0x17: {  	_ =	swait.ge [sflag:s4], $0x20  }
0x18: {  	[sflag:s4] =	ssyncset.done $0x0  }
0x19: {  	[sflag:s4] =	ssyncadd.s32 $0xFFFFFFE0  }
0x1a: {  	v0 =	vld [tilespmem:$0x18700];
	_ =	sdelay $0x1  }
0x1b: {  	v1 =	vld [tilespmem:$0x18780];
	_ =	sdelay $0x1  }
0x1c: {  	v2 =	vld [tilespmem:$0x18800];
	_ =	sdelay $0x1  }
0x1d: {  	v3 =	vld [tilespmem:$0x18880]  }
0x1e: {  	v4 =	vld [tilespmem:$0x18900]  }
0x1f: {  	v0 =	vld.idx.msk [tilespmem:v0+s3+$0x0], $0xffff  }
0x20: {  	v5 =	vld [tilespmem:$0x18980]  }
0x21: {  	v1 =	vld.idx.msk [tilespmem:v1+s3+$0x0], $0xffff  }
0x22: {  	v6 =	vld [tilespmem:$0x18A00]  }
0x23: {  	v2 =	vld.idx.msk [tilespmem:v2+s3+$0x0], $0xffff  }
0x24: {  	v7 =	vld [tilespmem:$0x18A80];
	v0 =	vadd.f32 $1.000000010e-10, v0  }
0x25: {  	v3 =	vld.idx.msk [tilespmem:v3+s3+$0x0], $0xffff  }
0x26: {  	v8 =	vld [tilespmem:$0x18B00];
	v1 =	vadd.f32 $1.000000010e-10, v1;
	(erf) = vrcp.f32 v0  }
0x27: {  	v0 =	vld.idx.msk [tilespmem:v4+s3+$0x0], $0xffff  }
0x28: {  	v60 =	vld [tilespmem:$0x18B80];
	v2 =	vadd.f32 $1.000000010e-10, v2;
	(erf) = vrcp.f32 v1  }
0x29: {  	v1 =	vld.idx.msk [tilespmem:v5+s3+$0x0], $0xffff  }
0x2a: {  	v61 =	vld [tilespmem:$0x18C00];
	v3 =	vadd.f32 $1.000000010e-10, v3;
	(erf) = vrcp.f32 v2  }
0x2b: {  	v2 =	vld.idx.msk [tilespmem:v6+s3+$0x0], $0xffff  }
0x2c: {  	v62 =	vld [tilespmem:$0x18C80];
	(erf) = vrcp.f32 v3;
	v0 =	vadd.f32 $1.000000010e-10, v0  }
0x2d: {  	v3 =	vld.idx.msk [tilespmem:v7+s3+$0x0], $0xffff  }
0x2e: {  	v63 =	vld [tilespmem:$0x18D00];
	v1 =	vadd.f32 $1.000000010e-10, v1;
	(erf) = vrcp.f32 v0  }
0x2f: {  	v0 =	vld.idx.msk [tilespmem:v8+s3+$0x0], $0xffff;
	v12 =	vpop (erf)  }
0x30: {  	v9 =	vld [tilespmem:$0x18D80];
	v2 =	vadd.f32 $1.000000010e-10, v2;
	(erf) = vrcp.f32 v1;
	v8 =	vadd.f32 $0.0e+00, v12  }
0x31: {  	v1 =	vld.idx.msk [tilespmem:v60+s3+$0x0], $0xffff;
	v13 =	vpop (erf)  }
0x32: {  	v10 =	vld [tilespmem:$0x18E00];
	v3 =	vadd.f32 $1.000000010e-10, v3;
	(erf) = vrcp.f32 v2;
	v4 =	vadd.f32 v13, v8  }
0x33: {  	v2 =	vld.idx.msk [tilespmem:v61+s3+$0x0], $0xffff;
	v14 =	vpop (erf)  }
0x34: {  	v15 =	vld [tilespmem:$0x18E80];
	(erf) = vrcp.f32 v3;
	v0 =	vadd.f32 $1.000000010e-10, v0;
	v4 =	vadd.f32 v14, v4  }
0x35: {  	v3 =	vld.idx.msk [tilespmem:v62+s3+$0x0], $0xffff;
	v16 =	vpop (erf)  }
0x36: {  	v17 =	vld [tilespmem:$0x18F00];
	v1 =	vadd.f32 $1.000000010e-10, v1;
	(erf) = vrcp.f32 v0;
	v4 =	vadd.f32 v16, v4  }
0x37: {  	v0 =	vld.idx.msk [tilespmem:v63+s3+$0x0], $0xffff;
	v18 =	vpop (erf)  }
0x38: {  	v19 =	vld [tilespmem:$0x18F80];
	v2 =	vadd.f32 $1.000000010e-10, v2;
	(erf) = vrcp.f32 v1;
	v4 =	vadd.f32 v18, v4  }
0x39: {  	v1 =	vld.idx.msk [tilespmem:v9+s3+$0x0], $0xffff;
	v20 =	vpop (erf)  }
0x3a: {  	v21 =	vld [tilespmem:$0x19000];
	v3 =	vadd.f32 $1.000000010e-10, v3;
	(erf) = vrcp.f32 v2;
	v4 =	vadd.f32 v20, v4  }
0x3b: {  	v23 =	vld [tilespmem:$0x19080];
	v22 =	vpop (erf)  }
0x3c: {  	v2 =	vld.idx.msk [tilespmem:v10+s3+$0x0], $0xffff;
	v0 =	vadd.f32 $1.000000010e-10, v0;
	(erf) = vrcp.f32 v3;
	v4 =	vadd.f32 v22, v4  }
0x3d: {  	v3 =	vld.idx.msk [tilespmem:v15+s3+$0x0], $0xffff;
	v24 =	vpop (erf)  }
0x3e: {  	v1 =	vadd.f32 $1.000000010e-10, v1;
	(erf) = vrcp.f32 v0;
	v0 =	vld.idx.msk [tilespmem:v17+s3+$0x0], $0xffff;
	v4 =	vadd.f32 v24, v4  }
0x3f: {  	v25 =	vpop (erf)  }
0x40: {  	(erf) = vrcp.f32 v1;
	v1 =	vld.idx.msk [tilespmem:v19+s3+$0x0], $0xffff;
	v4 =	vadd.f32 v25, v4  }
0x41: {  	v2 =	vadd.f32 $1.000000010e-10, v2;
	v26 =	vpop (erf)  }
0x42: {  	v4 =	vadd.f32 v26, v4  }
0x43: {  	v3 =	vadd.f32 $1.000000010e-10, v3;
	(erf) = vrcp.f32 v2;
	v2 =	vld.idx.msk [tilespmem:v21+s3+$0x0], $0xffff;
	v0 =	vadd.f32 $1.000000010e-10, v0;
	v27 =	vpop (erf)  }
0x44: {  	v4 =	vadd.f32 v27, v4  }
0x45: {  	(erf) = vrcp.f32 v3;
	v3 =	vld.idx.msk [tilespmem:v23+s3+$0x0], $0xffff;
	v28 =	vpop (erf);
	v1 =	vadd.f32 $1.000000010e-10, v1  }
0x46: {  	v4 =	vadd.f32 v28, v4  }
0x47: {  	(erf) = vrcp.f32 v0;
	v0 =	vpop (erf)  }
0x48: {  	v2 =	vadd.f32 $1.000000010e-10, v2;
	v0 =	vadd.f32 v0, v4  }
0x49: {  	(erf) = vrcp.f32 v1;
	v1 =	vpop (erf)  }
0x4a: {  	v0 =	vadd.f32 v1, v0;
	v1 =	vadd.f32 $1.000000010e-10, v3  }
0x4b: {  	(erf) = vrcp.f32 v2  }
0x4c: {  	v2 =	vpop (erf)  }
0x4d: {  	v0 =	vadd.f32 v2, v0;
	(erf) = vrcp.f32 v1  }
0x4e: {  	v1 =	vpop (erf)  }
0x4f: {  	v0 =	vadd.f32 v1, v0  }
0x50: {  	v1 =	vpop (erf)  }
0x51: {  	v0 =	vadd.f32 v1, v0  }
0x52: {  	v1 =	vpop (erf)  }
0x53: {  	v0 =	vadd.f32 v1, v0  }
0x54: {  	v1 =	vpop (erf)  }
0x55: {  	v0 =	vadd.f32 v1, v0  }
0x56: {  	v1 =	vpop (erf)  }
0x57: {  	v0 =	vadd.f32 v1, v0;
	_ =	sdelay $0x1  }
0x58: {  	v0 =	vmul.f32 $5.000000070e-02, v0;
	_ =	sdelay $0x1  }
0x59: {  	v0 =	vadd.f32 $1.000000010e-10, v0;
	_ =	sdelay $0x1  }
0x5a: {  	(erf) = vrcp.f32 v0;
	_ =	sdelay $0x4  }
0x5b: {  	v0 =	vld [tilespmem:$0x19300];
	_ =	sdelay $0x3  }
0x5c: {  	v1 =	vpop (erf)  }
0x5d: {  	v2 =	vld [tilespmem:$0x18710];
	v0 =	vmul.f32 v1, v0  }
0x5e: {  	v1 =	vld [tilespmem:$0x19380]  }
0x5f: {  	v3 =	vld [tilespmem:$0x18790];
	v29 =	vsub.f32 $0.0e+00, v0;
	_ =	sdelay $0x1  }
0x60: {  	v30 =	vld [tilespmem:$0x18810];
	v0 =	vimm.s32 $0x0;
	vm0 =	vlt.f32 v29, $-5.000000000e-01  }
0x61: {  	[tilespmem:$0x19400] =	vst v29;
	v31 =	vsel vm0, $0x1, v0  }
0x62: {  	v32 =	vld [tilespmem:$0x18890];
	v1 =	vsel vm0, $0xFFFFFFFF, v1;
	[tilespmem:$0x19480] =	vst v31  }
0x63: {  	v33 =	vld [tilespmem:$0x18910];
	[tilespmem:$0x19500] =	vst v1  }
0x64: {  	v1 =	vld.idx.msk [tilespmem:v2+s3+$0x0], $0xffff  }
0x65: {  	v2 =	vld [tilespmem:$0x18990]  }
0x66: {  	v3 =	vld.idx.msk [tilespmem:v3+s3+$0x0], $0xffff  }
0x67: {  	v34 =	vld [tilespmem:$0x18A10]  }
0x68: {  	v5 =	vld.idx.msk [tilespmem:v30+s3+$0x0], $0xffff  }
0x69: {  	v35 =	vld [tilespmem:$0x18A90];
	v1 =	vadd.f32 $1.000000010e-10, v1  }
0x6a: {  	v6 =	vld.idx.msk [tilespmem:v32+s3+$0x0], $0xffff  }
0x6b: {  	v36 =	vld [tilespmem:$0x18B10];
	v3 =	vadd.f32 $1.000000010e-10, v3;
	(erf) = vrcp.f32 v1  }
0x6c: {  	v1 =	vld.idx.msk [tilespmem:v33+s3+$0x0], $0xffff  }
0x6d: {  	v37 =	vld [tilespmem:$0x18B90];
	v5 =	vadd.f32 $1.000000010e-10, v5;
	(erf) = vrcp.f32 v3  }
0x6e: {  	v2 =	vld.idx.msk [tilespmem:v2+s3+$0x0], $0xffff  }
0x6f: {  	v38 =	vld.idx.msk [tilespmem:v34+s3+$0x0], $0xffff;
	v6 =	vadd.f32 $1.000000010e-10, v6;
	(erf) = vrcp.f32 v5  }
0x70: {  	v3 =	vld [tilespmem:$0x18C10]  }
0x71: {  	v39 =	vld [tilespmem:$0x18C90];
	(erf) = vrcp.f32 v6;
	v1 =	vadd.f32 $1.000000010e-10, v1  }
0x72: {  	v40 =	vld.idx.msk [tilespmem:v35+s3+$0x0], $0xffff  }
0x73: {  	v41 =	vld [tilespmem:$0x18D10];
	v2 =	vadd.f32 $1.000000010e-10, v2;
	(erf) = vrcp.f32 v1  }
0x74: {  	v1 =	vld.idx.msk [tilespmem:v36+s3+$0x0], $0xffff;
	v42 =	vpop (erf)  }
0x75: {  	v43 =	vld [tilespmem:$0x18D90];
	v5 =	vadd.f32 $1.000000010e-10, v38;
	(erf) = vrcp.f32 v2;
	v9 =	vadd.f32 $0.0e+00, v42  }
0x76: {  	v2 =	vld.idx.msk [tilespmem:v37+s3+$0x0], $0xffff;
	v44 =	vpop (erf)  }
0x77: {  	v11 =	vld [tilespmem:$0x18E10];
	v6 =	vadd.f32 $1.000000010e-10, v40;
	(erf) = vrcp.f32 v5;
	v4 =	vadd.f32 v44, v9  }
0x78: {  	v3 =	vld.idx.msk [tilespmem:v3+s3+$0x0], $0xffff;
	v45 =	vpop (erf)  }
0x79: {  	v46 =	vld [tilespmem:$0x18E90];
	(erf) = vrcp.f32 v6;
	v1 =	vadd.f32 $1.000000010e-10, v1;
	v4 =	vadd.f32 v45, v4  }
0x7a: {  	v47 =	vld.idx.msk [tilespmem:v39+s3+$0x0], $0xffff;
	v48 =	vpop (erf)  }
0x7b: {  	v49 =	vld [tilespmem:$0x18F10];
	v2 =	vadd.f32 $1.000000010e-10, v2;
	(erf) = vrcp.f32 v1;
	v4 =	vadd.f32 v48, v4  }
0x7c: {  	v1 =	vld.idx.msk [tilespmem:v41+s3+$0x0], $0xffff;
	v50 =	vpop (erf)  }
0x7d: {  	v51 =	vld [tilespmem:$0x18F90];
	v3 =	vadd.f32 $1.000000010e-10, v3;
	(erf) = vrcp.f32 v2;
	v4 =	vadd.f32 v50, v4  }
0x7e: {  	v2 =	vld.idx.msk [tilespmem:v43+s3+$0x0], $0xffff;
	v52 =	vpop (erf)  }
0x7f: {  	v53 =	vld [tilespmem:$0x19010];
	v5 =	vadd.f32 $1.000000010e-10, v47;
	(erf) = vrcp.f32 v3;
	v4 =	vadd.f32 v52, v4  }
0x80: {  	v3 =	vld.idx.msk [tilespmem:v11+s3+$0x0], $0xffff;
	v54 =	vpop (erf)  }
0x81: {  	v55 =	vld [tilespmem:$0x19090];
	v1 =	vadd.f32 $1.000000010e-10, v1;
	(erf) = vrcp.f32 v5;
	v4 =	vadd.f32 v54, v4  }
0x82: {  	v56 =	vld.idx.msk [tilespmem:v46+s3+$0x0], $0xffff;
	v57 =	vpop (erf)  }
0x83: {  	v2 =	vadd.f32 $1.000000010e-10, v2;
	(erf) = vrcp.f32 v1;
	v1 =	vld.idx.msk [tilespmem:v49+s3+$0x0], $0xffff;
	v4 =	vadd.f32 v57, v4  }
0x84: {  	v58 =	vpop (erf)  }
0x85: {  	v3 =	vadd.f32 $1.000000010e-10, v3;
	(erf) = vrcp.f32 v2;
	v2 =	vld.idx.msk [tilespmem:v51+s3+$0x0], $0xffff;
	v4 =	vadd.f32 v58, v4  }
0x86: {  	v59 =	vpop (erf)  }
0x87: {  	v5 =	vadd.f32 $1.000000010e-10, v56;
	(erf) = vrcp.f32 v3;
	v4 =	vadd.f32 v59, v4  }
0x88: {  	v3 =	vld.idx.msk [tilespmem:v53+s3+$0x0], $0xffff;
	v1 =	vadd.f32 $1.000000010e-10, v1;
	v60 =	vpop (erf)  }
0x89: {  	(erf) = vrcp.f32 v5;
	v4 =	vadd.f32 v60, v4  }
0x8a: {  	v61 =	vld.idx.msk [tilespmem:v55+s3+$0x0], $0xffff;
	v62 =	vpop (erf);
	v2 =	vadd.f32 $1.000000010e-10, v2  }
0x8b: {  	(erf) = vrcp.f32 v1;
	v4 =	vadd.f32 v62, v4  }
0x8c: {  	v1 =	vpop (erf)  }
0x8d: {  	v3 =	vadd.f32 $1.000000010e-10, v3;
	(erf) = vrcp.f32 v2;
	v1 =	vadd.f32 v1, v4  }
0x8e: {  	v2 =	vpop (erf)  }
0x8f: {  	v63 =	vadd.f32 $1.000000010e-10, v61;
	(erf) = vrcp.f32 v3;
	v1 =	vadd.f32 v2, v1  }
0x90: {  	v2 =	vpop (erf)  }
0x91: {  	(erf) = vrcp.f32 v63;
	v1 =	vadd.f32 v2, v1  }
0x92: {  	v2 =	vpop (erf)  }
0x93: {  	v1 =	vadd.f32 v2, v1  }
0x94: {  	v2 =	vpop (erf)  }
0x95: {  	v1 =	vadd.f32 v2, v1  }
0x96: {  	v2 =	vpop (erf)  }
0x97: {  	v1 =	vadd.f32 v2, v1  }
0x98: {  	v2 =	vpop (erf)  }
0x99: {  	v1 =	vadd.f32 v2, v1  }
0x9a: {  	v2 =	vpop (erf)  }
0x9b: {  	v1 =	vadd.f32 v2, v1;
	_ =	sdelay $0x1  }
0x9c: {  	v1 =	vmul.f32 $5.000000070e-02, v1;
	_ =	sdelay $0x1  }
0x9d: {  	v1 =	vadd.f32 $1.000000010e-10, v1;
	_ =	sdelay $0x1  }
0x9e: {  	(erf) = vrcp.f32 v1;
	_ =	sdelay $0x4  }
0x9f: {  	v1 =	vld [tilespmem:$0x19310];
	_ =	sdelay $0x3  }
0xa0: {  	v2 =	vpop (erf)  }
0xa1: {  	v1 =	vmul.f32 v2, v1  }
0xa2: {  	v2 =	vld [tilespmem:$0x19390]  }
0xa3: {  	v1 =	vsub.f32 $0.0e+00, v1;
	_ =	sdelay $0x1  }
0xa4: {  	vm15 =	vlt.f32 v1, $-5.000000000e-01  }
0xa5: {  	[tilespmem:$0x19410] =	vst v1;
	v1 =	vsel vm15, $0x1, v0  }
0xa6: {  	s17 =	ssub.s32 $0x2, s13;
	v2 =	vsel vm15, $0xFFFFFFFF, v2;
	[tilespmem:$0x19490] =	vst v1  }
0xa7: {  	s12 =	simm.s32 $0x19400;
	s18 =	sshrl.u32 s17, $0x1;
	s11 =	sadd.s32 s11, s16;
	[tilespmem:$0x19510] =	vst v2  }
0xa8: {  	[hbm4b:s11+s3] =	stream.linear.scatter [tilespmem:s12], [sflag:$0x1], $0x20, $0x38;
	[tilespmem:$0x19580] =	vst v63  }
0xa9: {  	s17 =	ssub.s32 s17, s18;
	_ =	swait.ge [sflag:s4], $0x20  }
0xaa: {  	s13 =	sadd.s32 $0x3A00, s14;
	s17 =	smax.u32 s17, $0x1;
	[sflag:s4] =	ssyncset.done $0x0  }
0xab: {  	s14 =	simm.s32 $0x19480;
	p0 =	sne.s32 s17, $0x1;
	[sflag:s4] =	ssyncadd.s32 $0xFFFFFFE0  }
0xac: {  	[hbm4b:s13+s3] =	stream.linear.scatter [tilespmem:s14], [sflag:$0x1], $0x20, $0x38;
	[tilespmem:$0x19580] =	vst v63  }
.Ltmp0:
0xad: {  	_ = 	snop;
	(pc) =	sbr.rel @!p0 .LBB2_2-.Ltmp0, $4  }
0xae: {  	_ =	swait.ge [sflag:s4], $0x20  }
0xaf: {  	s15 =	sadd.s32 s15, s16;
	[sflag:s4] =	ssyncset.done $0x0  }
0xb0: {  	s16 =	simm.s32 $0x19500;
	s17 =	sadd.s32 $0xFFFFFFFF, s17;
	[sflag:s4] =	ssyncadd.s32 $0xFFFFFFE0  }
0xb1: {  	[hbm4b:s15+s3] =	stream.linear.scatter [tilespmem:s16], [sflag:$0x1], $0x20, $0x38;
	[tilespmem:$0x19580] =	vst v63  }
.LBB2_1:
0xb2: {  	p0 =	sne.s32 s17, $0x1;
	s17 =	sadd.s32 $0xFFFFFFFF, s17;
	_ =	swait.ge [sflag:s4], $0x20  }
0xb3: {  	[sflag:s4] =	ssyncset.done $0x0  }
0xb4: {  	[sflag:s4] =	ssyncadd.s32 $0xFFFFFFE0  }
0xb5: {  	[tilespmem:s3], [sflag:$0x1] =	stream.linear.gather [hbm4b:s2+s3], $0x18700, $0x38;
	[tilespmem:$0x19580] =	vst v63  }
0xb6: {  	_ =	swait.ge [sflag:s4], $0x18700  }
0xb7: {  	[sflag:s4] =	ssyncset.done $0x0  }
0xb8: {  	[sflag:s4] =	ssyncadd.s32 $0xFFFE7900  }
0xb9: {  	[tilespmem:s6], [sflag:$0x1] =	stream.linear.gather [hbm4b:s5+s3], $0xA00, $0x38;
	[tilespmem:$0x19580] =	vst v63  }
0xba: {  	_ =	swait.ge [sflag:s4], $0xA00  }
0xbb: {  	[sflag:s4] =	ssyncset.done $0x0  }
0xbc: {  	[sflag:s4] =	ssyncadd.s32 $0xFFFFF600  }
0xbd: {  	[tilespmem:s8], [sflag:$0x1] =	stream.linear.gather [hbm4b:s7+s3], $0x20, $0x38;
	[tilespmem:$0x19580] =	vst v63  }
0xbe: {  	_ =	swait.ge [sflag:s4], $0x20  }
0xbf: {  	[sflag:s4] =	ssyncset.done $0x0  }
0xc0: {  	[sflag:s4] =	ssyncadd.s32 $0xFFFFFFE0  }
0xc1: {  	[tilespmem:s10], [sflag:$0x1] =	stream.linear.gather [hbm4b:s9+s3], $0x20, $0x38;
	[tilespmem:$0x19580] =	vst v63  }
0xc2: {  	_ =	swait.ge [sflag:s4], $0x20  }
0xc3: {  	[sflag:s4] =	ssyncset.done $0x0  }
0xc4: {  	[sflag:s4] =	ssyncadd.s32 $0xFFFFFFE0  }
0xc5: {  	v1 =	vld [tilespmem:$0x18700]  }
0xc6: {  	v2 =	vld [tilespmem:$0x18780]  }
0xc7: {  	v3 =	vld [tilespmem:$0x18800]  }
0xc8: {  	v4 =	vld [tilespmem:$0x18880]  }
0xc9: {  	v5 =	vld [tilespmem:$0x18900]  }
0xca: {  	v6 =	vld [tilespmem:$0x18980]  }
0xcb: {  	v7 =	vld [tilespmem:$0x18A00]  }
0xcc: {  	v8 =	vld [tilespmem:$0x18A80]  }
0xcd: {  	v1 =	vld.idx.msk [tilespmem:v1+s3+$0x0], $0xffff  }
0xce: {  	v9 =	vld [tilespmem:$0x18B00]  }
0xcf: {  	v2 =	vld.idx.msk [tilespmem:v2+s3+$0x0], $0xffff  }
0xd0: {  	v10 =	vld [tilespmem:$0x18B80]  }
0xd1: {  	v3 =	vld.idx.msk [tilespmem:v3+s3+$0x0], $0xffff  }
0xd2: {  	v11 =	vld [tilespmem:$0x18C00]  }
0xd3: {  	v1 =	vadd.f32 $1.000000010e-10, v1;
	v4 =	vld.idx.msk [tilespmem:v4+s3+$0x0], $0xffff  }
0xd4: {  	v12 =	vld [tilespmem:$0x18C80]  }
0xd5: {  	v2 =	vadd.f32 $1.000000010e-10, v2;
	v5 =	vld.idx.msk [tilespmem:v5+s3+$0x0], $0xffff;
	(erf) = vrcp.f32 v1  }
0xd6: {  	v1 =	vld [tilespmem:$0x18D00]  }
0xd7: {  	v3 =	vadd.f32 $1.000000010e-10, v3;
	v6 =	vld.idx.msk [tilespmem:v6+s3+$0x0], $0xffff;
	(erf) = vrcp.f32 v2  }
0xd8: {  	v2 =	vld [tilespmem:$0x18D80]  }
0xd9: {  	v4 =	vadd.f32 $1.000000010e-10, v4;
	v7 =	vld.idx.msk [tilespmem:v7+s3+$0x0], $0xffff;
	(erf) = vrcp.f32 v3  }
0xda: {  	v3 =	vld [tilespmem:$0x18E00]  }
0xdb: {  	v5 =	vadd.f32 $1.000000010e-10, v5;
	v8 =	vld.idx.msk [tilespmem:v8+s3+$0x0], $0xffff;
	(erf) = vrcp.f32 v4  }
0xdc: {  	v4 =	vld [tilespmem:$0x18E80]  }
0xdd: {  	v6 =	vadd.f32 $1.000000010e-10, v6;
	v9 =	vld.idx.msk [tilespmem:v9+s3+$0x0], $0xffff;
	(erf) = vrcp.f32 v5  }
0xde: {  	v5 =	vld [tilespmem:$0x18F00];
	v13 =	vpop (erf)  }
0xdf: {  	v7 =	vadd.f32 $1.000000010e-10, v7;
	v13 =	vadd.f32 $0.0e+00, v13;
	v10 =	vld.idx.msk [tilespmem:v10+s3+$0x0], $0xffff;
	(erf) = vrcp.f32 v6  }
0xe0: {  	v6 =	vld [tilespmem:$0x18F80];
	v14 =	vpop (erf)  }
0xe1: {  	v8 =	vadd.f32 $1.000000010e-10, v8;
	v13 =	vadd.f32 v14, v13;
	v11 =	vld.idx.msk [tilespmem:v11+s3+$0x0], $0xffff;
	(erf) = vrcp.f32 v7  }
0xe2: {  	v7 =	vld [tilespmem:$0x19000];
	v14 =	vpop (erf)  }
0xe3: {  	v15 =	vadd.f32 $1.000000010e-10, v9;
	v13 =	vadd.f32 v14, v13;
	v12 =	vld.idx.msk [tilespmem:v12+s3+$0x0], $0xffff;
	(erf) = vrcp.f32 v8  }
0xe4: {  	v8 =	vld [tilespmem:$0x19080];
	v14 =	vpop (erf)  }
0xe5: {  	v13 =	vadd.f32 v14, v13;
	v14 =	vadd.f32 $1.000000010e-10, v10;
	v1 =	vld.idx.msk [tilespmem:v1+s3+$0x0], $0xffff;
	(erf) = vrcp.f32 v15  }
0xe6: {  	v9 =	vpop (erf)  }
0xe7: {  	v9 =	vadd.f32 v9, v13;
	v13 =	vadd.f32 $1.000000010e-10, v11;
	v2 =	vld.idx.msk [tilespmem:v2+s3+$0x0], $0xffff;
	(erf) = vrcp.f32 v14  }
0xe8: {  	v10 =	vpop (erf)  }
0xe9: {  	v12 =	vadd.f32 $1.000000010e-10, v12;
	v9 =	vadd.f32 v10, v9;
	v3 =	vld.idx.msk [tilespmem:v3+s3+$0x0], $0xffff;
	(erf) = vrcp.f32 v13  }
0xea: {  	v11 =	vpop (erf)  }
0xeb: {  	v9 =	vadd.f32 v11, v9;
	v11 =	vadd.f32 $1.000000010e-10, v1;
	v4 =	vld.idx.msk [tilespmem:v4+s3+$0x0], $0xffff;
	(erf) = vrcp.f32 v12  }
0xec: {  	v10 =	vpop (erf)  }
0xed: {  	v9 =	vadd.f32 v10, v9;
	v10 =	vadd.f32 $1.000000010e-10, v2;
	v5 =	vld.idx.msk [tilespmem:v5+s3+$0x0], $0xffff;
	(erf) = vrcp.f32 v11  }
0xee: {  	v1 =	vpop (erf)  }
0xef: {  	v1 =	vadd.f32 v1, v9;
	v9 =	vadd.f32 $1.000000010e-10, v3;
	v6 =	vld.idx.msk [tilespmem:v6+s3+$0x0], $0xffff;
	(erf) = vrcp.f32 v10  }
0xf0: {  	v2 =	vpop (erf)  }
0xf1: {  	v10 =	vadd.f32 $1.000000010e-10, v4;
	v1 =	vadd.f32 v2, v1;
	v4 =	vld.idx.msk [tilespmem:v7+s3+$0x0], $0xffff;
	(erf) = vrcp.f32 v9  }
0xf2: {  	v3 =	vpop (erf)  }
0xf3: {  	v7 =	vadd.f32 $1.000000010e-10, v5;
	v1 =	vadd.f32 v3, v1;
	v5 =	vld.idx.msk [tilespmem:v8+s3+$0x0], $0xffff;
	(erf) = vrcp.f32 v10  }
0xf4: {  	v2 =	vpop (erf)  }
0xf5: {  	v6 =	vadd.f32 $1.000000010e-10, v6;
	v1 =	vadd.f32 v2, v1;
	(erf) = vrcp.f32 v7  }
0xf6: {  	v3 =	vpop (erf)  }
0xf7: {  	v4 =	vadd.f32 $1.000000010e-10, v4;
	v1 =	vadd.f32 v3, v1;
	(erf) = vrcp.f32 v6  }
0xf8: {  	v2 =	vpop (erf)  }
0xf9: {  	v5 =	vadd.f32 $1.000000010e-10, v5;
	v1 =	vadd.f32 v2, v1;
	(erf) = vrcp.f32 v4  }
0xfa: {  	v3 =	vpop (erf)  }
0xfb: {  	v1 =	vadd.f32 v3, v1;
	(erf) = vrcp.f32 v5  }
0xfc: {  	v2 =	vpop (erf)  }
0xfd: {  	v1 =	vadd.f32 v2, v1  }
0xfe: {  	v2 =	vpop (erf)  }
0xff: {  	v1 =	vadd.f32 v2, v1  }
0x100: {  	v2 =	vpop (erf)  }
0x101: {  	v1 =	vadd.f32 v2, v1  }
0x102: {  	v2 =	vpop (erf)  }
0x103: {  	v1 =	vadd.f32 v2, v1  }
0x104: {  	v2 =	vpop (erf)  }
0x105: {  	v1 =	vadd.f32 v2, v1;
	_ =	sdelay $0x1  }
0x106: {  	v1 =	vmul.f32 $5.000000070e-02, v1;
	v2 =	vld [tilespmem:$0x19090]  }
0x107: {  	v3 =	vld [tilespmem:$0x19010]  }
0x108: {  	v1 =	vadd.f32 $1.000000010e-10, v1;
	v4 =	vld [tilespmem:$0x18F90]  }
0x109: {  	v5 =	vld [tilespmem:$0x18F10]  }
0x10a: {  	v6 =	vld [tilespmem:$0x18E90];
	(erf) = vrcp.f32 v1  }
0x10b: {  	v1 =	vld [tilespmem:$0x18E10]  }
0x10c: {  	v7 =	vld [tilespmem:$0x18D90]  }
0x10d: {  	v8 =	vld [tilespmem:$0x18D10]  }
0x10e: {  	v9 =	vld [tilespmem:$0x18C90]  }
0x10f: {  	v10 =	vld [tilespmem:$0x19300]  }
0x110: {  	v11 =	vld [tilespmem:$0x18C10]  }
0x111: {  	v12 =	vld [tilespmem:$0x18B90]  }
0x112: {  	v13 =	vld [tilespmem:$0x18B10]  }
0x113: {  	v14 =	vld [tilespmem:$0x18710];
	v15 =	vpop (erf)  }
0x114: {  	v10 =	vmul.f32 v15, v10;
	v15 =	vld [tilespmem:$0x19380]  }
0x115: {  	v16 =	vld [tilespmem:$0x18790]  }
0x116: {  	v10 =	vsub.f32 $0.0e+00, v10;
	v17 =	vld [tilespmem:$0x18810]  }
0x117: {  	v18 =	vld [tilespmem:$0x18890]  }
0x118: {  	vm0 =	vlt.f32 v10, $-5.000000000e-01;
	[tilespmem:$0x19400] =	vst v10;
	v10 =	vld [tilespmem:$0x18910]  }
0x119: {  	v19 =	vsel vm0, $0x1, v0;
	v15 =	vsel vm0, $0xFFFFFFFF, v15;
	v20 =	vld [tilespmem:$0x18990]  }
0x11a: {  	[tilespmem:$0x19480] =	vst v19;
	v19 =	vld [tilespmem:$0x18A10]  }
0x11b: {  	[tilespmem:$0x19500] =	vst v15;
	v15 =	vld [tilespmem:$0x18A90]  }
0x11c: {  	v14 =	vld.idx.msk [tilespmem:v14+s3+$0x0], $0xffff  }
0x11d: {  	v16 =	vld.idx.msk [tilespmem:v16+s3+$0x0], $0xffff  }
0x11e: {  	v17 =	vld.idx.msk [tilespmem:v17+s3+$0x0], $0xffff  }
0x11f: {  	v18 =	vld.idx.msk [tilespmem:v18+s3+$0x0], $0xffff  }
0x120: {  	v10 =	vld.idx.msk [tilespmem:v10+s3+$0x0], $0xffff  }
0x121: {  	v20 =	vld.idx.msk [tilespmem:v20+s3+$0x0], $0xffff  }
0x122: {  	v14 =	vadd.f32 $1.000000010e-10, v14;
	v19 =	vld.idx.msk [tilespmem:v19+s3+$0x0], $0xffff  }
0x123: {  	v16 =	vadd.f32 $1.000000010e-10, v16;
	v15 =	vld.idx.msk [tilespmem:v15+s3+$0x0], $0xffff  }
0x124: {  	v17 =	vadd.f32 $1.000000010e-10, v17;
	v13 =	vld.idx.msk [tilespmem:v13+s3+$0x0], $0xffff;
	(erf) = vrcp.f32 v14  }
0x125: {  	v14 =	vadd.f32 $1.000000010e-10, v18;
	v12 =	vld.idx.msk [tilespmem:v12+s3+$0x0], $0xffff  }
0x126: {  	v10 =	vadd.f32 $1.000000010e-10, v10;
	v11 =	vld.idx.msk [tilespmem:v11+s3+$0x0], $0xffff;
	(erf) = vrcp.f32 v16  }
0x127: {  	v16 =	vadd.f32 $1.000000010e-10, v20;
	v9 =	vld.idx.msk [tilespmem:v9+s3+$0x0], $0xffff  }
0x128: {  	v18 =	vadd.f32 $1.000000010e-10, v19;
	v8 =	vld.idx.msk [tilespmem:v8+s3+$0x0], $0xffff;
	(erf) = vrcp.f32 v17  }
0x129: {  	v15 =	vadd.f32 $1.000000010e-10, v15;
	v7 =	vld.idx.msk [tilespmem:v7+s3+$0x0], $0xffff  }
0x12a: {  	v13 =	vadd.f32 $1.000000010e-10, v13;
	v1 =	vld.idx.msk [tilespmem:v1+s3+$0x0], $0xffff;
	(erf) = vrcp.f32 v14  }
0x12b: {  	v12 =	vadd.f32 $1.000000010e-10, v12;
	v6 =	vld.idx.msk [tilespmem:v6+s3+$0x0], $0xffff  }
0x12c: {  	v11 =	vadd.f32 $1.000000010e-10, v11;
	v5 =	vld.idx.msk [tilespmem:v5+s3+$0x0], $0xffff;
	(erf) = vrcp.f32 v10  }
0x12d: {  	v9 =	vadd.f32 $1.000000010e-10, v9;
	v4 =	vld.idx.msk [tilespmem:v4+s3+$0x0], $0xffff;
	v10 =	vpop (erf)  }
0x12e: {  	v8 =	vadd.f32 $1.000000010e-10, v8;
	v10 =	vadd.f32 $0.0e+00, v10;
	v3 =	vld.idx.msk [tilespmem:v3+s3+$0x0], $0xffff;
	(erf) = vrcp.f32 v16  }
0x12f: {  	v7 =	vadd.f32 $1.000000010e-10, v7;
	v2 =	vld.idx.msk [tilespmem:v2+s3+$0x0], $0xffff;
	v14 =	vpop (erf)  }
0x130: {  	v1 =	vadd.f32 $1.000000010e-10, v1;
	v10 =	vadd.f32 v14, v10;
	(erf) = vrcp.f32 v18  }
0x131: {  	v6 =	vadd.f32 $1.000000010e-10, v6;
	v14 =	vpop (erf)  }
0x132: {  	v5 =	vadd.f32 $1.000000010e-10, v5;
	v10 =	vadd.f32 v14, v10;
	(erf) = vrcp.f32 v15  }
0x133: {  	v4 =	vadd.f32 $1.000000010e-10, v4;
	v14 =	vpop (erf)  }
0x134: {  	v3 =	vadd.f32 $1.000000010e-10, v3;
	v10 =	vadd.f32 v14, v10;
	(erf) = vrcp.f32 v13  }
0x135: {  	v2 =	vadd.f32 $1.000000010e-10, v2;
	v13 =	vpop (erf)  }
0x136: {  	v10 =	vadd.f32 v13, v10;
	(erf) = vrcp.f32 v12  }
0x137: {  	v12 =	vpop (erf)  }
0x138: {  	v10 =	vadd.f32 v12, v10;
	(erf) = vrcp.f32 v11  }
0x139: {  	v11 =	vpop (erf)  }
0x13a: {  	v10 =	vadd.f32 v11, v10;
	(erf) = vrcp.f32 v9  }
0x13b: {  	v9 =	vpop (erf)  }
0x13c: {  	v9 =	vadd.f32 v9, v10;
	(erf) = vrcp.f32 v8  }
0x13d: {  	v8 =	vpop (erf)  }
0x13e: {  	v8 =	vadd.f32 v8, v9;
	(erf) = vrcp.f32 v7  }
0x13f: {  	v7 =	vpop (erf)  }
0x140: {  	v7 =	vadd.f32 v7, v8;
	(erf) = vrcp.f32 v1  }
0x141: {  	v1 =	vpop (erf)  }
0x142: {  	v1 =	vadd.f32 v1, v7;
	(erf) = vrcp.f32 v6  }
0x143: {  	v6 =	vpop (erf)  }
0x144: {  	v1 =	vadd.f32 v6, v1;
	(erf) = vrcp.f32 v5  }
0x145: {  	v5 =	vpop (erf)  }
0x146: {  	v1 =	vadd.f32 v5, v1;
	(erf) = vrcp.f32 v4  }
0x147: {  	v4 =	vpop (erf)  }
0x148: {  	v1 =	vadd.f32 v4, v1;
	(erf) = vrcp.f32 v3  }
0x149: {  	v3 =	vpop (erf)  }
0x14a: {  	v1 =	vadd.f32 v3, v1;
	(erf) = vrcp.f32 v2  }
0x14b: {  	v2 =	vpop (erf)  }
0x14c: {  	v1 =	vadd.f32 v2, v1  }
0x14d: {  	v2 =	vpop (erf)  }
0x14e: {  	v1 =	vadd.f32 v2, v1  }
0x14f: {  	v2 =	vpop (erf)  }
0x150: {  	v1 =	vadd.f32 v2, v1  }
0x151: {  	v2 =	vpop (erf)  }
0x152: {  	v1 =	vadd.f32 v2, v1  }
0x153: {  	v2 =	vpop (erf)  }
0x154: {  	v1 =	vadd.f32 v2, v1;
	_ =	sdelay $0x1  }
0x155: {  	v1 =	vmul.f32 $5.000000070e-02, v1;
	_ =	sdelay $0x1  }
0x156: {  	v1 =	vadd.f32 $1.000000010e-10, v1;
	_ =	sdelay $0x1  }
0x157: {  	(erf) = vrcp.f32 v1;
	_ =	sdelay $0x4  }
0x158: {  	v1 =	vld [tilespmem:$0x19310];
	_ =	sdelay $0x3  }
0x159: {  	v2 =	vpop (erf)  }
0x15a: {  	v1 =	vmul.f32 v2, v1;
	v2 =	vld [tilespmem:$0x19390];
	_ =	sdelay $0x1  }
0x15b: {  	v1 =	vsub.f32 $0.0e+00, v1;
	_ =	sdelay $0x1  }
0x15c: {  	vm0 =	vlt.f32 v1, $-5.000000000e-01;
	[tilespmem:$0x19410] =	vst v1  }
0x15d: {  	v1 =	vsel vm0, $0x1, v0;
	v2 =	vsel vm0, $0xFFFFFFFF, v2  }
0x15e: {  	[tilespmem:$0x19490] =	vst v1  }
0x15f: {  	[tilespmem:$0x19510] =	vst v2  }
0x160: {  	[hbm4b:s11+s3] =	stream.linear.scatter [tilespmem:s12], [sflag:$0x1], $0x20, $0x38;
	[tilespmem:$0x19580] =	vst v63  }
0x161: {  	_ =	swait.ge [sflag:s4], $0x20  }
0x162: {  	[sflag:s4] =	ssyncset.done $0x0  }
0x163: {  	[sflag:s4] =	ssyncadd.s32 $0xFFFFFFE0  }
0x164: {  	[hbm4b:s13+s3] =	stream.linear.scatter [tilespmem:s14], [sflag:$0x1], $0x20, $0x38;
	[tilespmem:$0x19580] =	vst v63  }
.Ltmp1:
0x165: {  	_ = 	snop;
	(pc) =	sbr.rel @p0 .LBB2_1-.Ltmp1, $4  }
0x166: {  	_ =	swait.ge [sflag:s4], $0x20  }
0x167: {  	[sflag:s4] =	ssyncset.done $0x0  }
0x168: {  	[sflag:s4] =	ssyncadd.s32 $0xFFFFFFE0  }
0x169: {  	[hbm4b:s15+s3] =	stream.linear.scatter [tilespmem:s16], [sflag:$0x1], $0x20, $0x38;
	[tilespmem:$0x19580] =	vst v63  }
.LBB2_2:
0x16a: {  	_ =	swait.ge [sflag:s4], $0x20  }
0x16b: {  	[sflag:s4] =	ssyncset.done $0x0  }
0x16c: {  	[sflag:s4] =	ssyncadd.s32 $0xFFFFFFE0  }
0x16d: {  	_ =	sfence.sel $0x180000  }
0x16e: {  	[bflag:$0x0] =	sbarrier.arrive $0xFFFF  }
0x16f: {  	p0 =	sne.s32 s1, $0x0;
	_ =	strace $0x90000047  }
0x170: {  	s0 =	sadd.s32 @!p0 $0x100000, s0;
	[bflag:$0x2] =	sbarrier.arrive $0xFFFF  }
0x171: {  	[sflag:s0] =	ssyncadd.tile.s32 @!p0 $0x1;
	_ =	shalt  }
.Lfunc_end2:
_tile_overlayer_lowered:
.L_overlay_start_2:
0x172: {  	(tag) =	ssettag $0x2  }
0x173: {  	s0 =	rddreg [dreg:$0x0];
	s2 =	stileid.u32  }
0x174: {  	s1 =	rddreg [dreg:$0x1];
	p0 =	sne.s32 s2, $0x0  }
0x175: {  	s3 =	rddreg [dreg:$0x2];
	[bflag:$0x3] =	sbarrier.arrive $0xFFFF;
	s2 =	simm.s32 @!p0 $0x1C01  }
0x176: {  	[timem:s3], [sflag:s2] =	dma.local @!p0 [hbm:s0], s1  }
0x177: {  	s0 =	simm.s32 @!p0 $0x1  }
0x178: {  	_ =	swait.ge @!p0 [sflag:s0], s1  }
0x179: {  	s1 =	ssub.s32 @!p0 $0x0, s1;
	[sflag:s0] =	ssyncset.done @!p0 $0x0  }
0x17a: {  	[sflag:s0] =	ssyncadd.s32 @!p0 s1  }
0x17b: {  	[bflag:$0x3] =	sbarrier.arrive $0xFFFF  }
0x17c: {  	_ =	shalt  }

</sc_bundles>
